<compile_context>
chip_gen: v7x
topology: tpu7x:2x2x1
jax: 0.10.2.dev20260603
libtpu: 0.0.44.dev20260713+nightly
codegen_flags: <defaults>
</compile_context>

<pallas_src>
import functools

import jax
import jax.numpy as jnp
from jax import lax
from jax.experimental import pallas as pl
from jax.experimental.pallas import tpu as pltpu
from jax.experimental.pallas import tpu_sc as plsc

N = 10000
D = 128
E = 320000
NW = 32
NSUB = 16
BATCH = 128
STEPS = -(-E // (NW * BATCH))
E_PAD = NW * BATCH * STEPS
DUMP = 240
NPAD = N + DUMP
SHARE = NPAD // NSUB

_mesh = plsc.VectorSubcoreMesh(core_axis_name="c", subcore_axis_name="s")


@functools.partial(
    pl.kernel,
    out_type=jax.ShapeDtypeStruct((2, NPAD), jnp.float32),
    mesh=_mesh,
    compiler_params=pltpu.CompilerParams(needs_layout_passes=False),
    scratch_types=[
        pltpu.VMEM_SHARED((NSUB, NPAD), jnp.float32),
        pltpu.VMEM((STEPS, BATCH), jnp.int32),
        pltpu.VMEM((NPAD,), jnp.float32),
        pltpu.VMEM((NSUB, SHARE), jnp.float32),
        pltpu.VMEM((SHARE,), jnp.float32),
    ],
)
def _deg_kernel(dst_hbm, out_hbm, spm, slab, hist, mbuf, rbuf):
    c = lax.axis_index("c")
    s = lax.axis_index("s")
    w = c * NSUB + s
    pltpu.sync_copy(dst_hbm.at[w], slab)
    zvec = jnp.zeros((16,), jnp.float32)

    def zbody(i, carry):
        hist[pl.ds(i * 16, 16)] = zvec
        return carry

    lax.fori_loop(0, NPAD // 16, zbody, 0)

    def body(j, carry):
        for k in range(BATCH // 16):
            idx16 = slab[j, pl.ds(k * 16, 16)]
            cnt, last = plsc.scan_count(idx16)
            plsc.addupdate_scatter(hist, [idx16], cnt.astype(jnp.float32),
                                   mask=last)
        return carry

    lax.fori_loop(0, STEPS, body, 0)
    pltpu.sync_copy(hist, spm.at[s])
    plsc.subcore_barrier()
    pltpu.sync_copy(spm.at[:, pl.ds(s * SHARE, SHARE)], mbuf)

    def mbody(ci, carry):
        acc16 = zvec
        for r in range(NSUB):
            acc16 = acc16 + mbuf[r, pl.ds(ci * 16, 16)]
        rbuf[pl.ds(ci * 16, 16)] = acc16
        return carry

    lax.fori_loop(0, SHARE // 16, mbody, 0)
    pltpu.sync_copy(rbuf, out_hbm.at[c, pl.ds(s * SHARE, SHARE)])


@functools.partial(
    pl.kernel,
    out_type=jax.ShapeDtypeStruct((2, NPAD, D), jnp.float32),
    mesh=_mesh,
    scratch_types=[
        pltpu.VMEM_SHARED((NPAD, D), jnp.float32),
        pltpu.VMEM((STEPS, BATCH), jnp.int32),
        pltpu.VMEM((2, BATCH), jnp.int32),
        pltpu.VMEM((2, BATCH, D), jnp.float32),
        pltpu.SemaphoreType.DMA,
        pltpu.SemaphoreType.DMA,
    ],
)
def _msg_kernel(hp_hbm, src_hbm, dst_hbm, zeros_hbm, out_hbm,
                acc, srcv, dbuf, gbuf, semg, semi):
    c = lax.axis_index("c")
    s = lax.axis_index("s")
    w = c * NSUB + s
    pltpu.sync_copy(src_hbm.at[w], srcv)
    pltpu.async_copy(hp_hbm.at[srcv.at[0]], gbuf.at[0], semg)
    pltpu.async_copy(dst_hbm.at[w, 0], dbuf.at[0], semi)
    pltpu.sync_copy(zeros_hbm.at[pl.ds(s * SHARE, SHARE)],
                    acc.at[pl.ds(s * SHARE, SHARE)])
    plsc.subcore_barrier()

    def body(j, carry):
        b = lax.rem(j, 2)
        pltpu.make_async_copy(hp_hbm.at[srcv.at[j]], gbuf.at[b], semg).wait()
        pltpu.make_async_copy(dst_hbm.at[w, j], dbuf.at[b], semi).wait()

        @pl.when(j + 1 < STEPS)
        def _():
            pltpu.async_copy(hp_hbm.at[srcv.at[j + 1]], gbuf.at[1 - b], semg)
            pltpu.async_copy(dst_hbm.at[w, j + 1], dbuf.at[1 - b], semi)

        pltpu.sync_copy(gbuf.at[b], acc.at[dbuf.at[b]], add=True)
        return carry

    lax.fori_loop(0, STEPS, body, 0)
    plsc.subcore_barrier()
    pltpu.sync_copy(acc.at[pl.ds(s * SHARE, SHARE)],
                    out_hbm.at[c, pl.ds(s * SHARE, SHARE)])


_R = 1000


def _dinv_of(d_ref):
    return lax.rsqrt(d_ref[...] + 1.0)


def _tc_mm_body(x_ref, w_ref, o_ref):
    o_ref[...] = jnp.dot(x_ref[...], w_ref[...],
                         preferred_element_type=jnp.float32)


def _tc_scale_body(h_ref, d_ref, o_ref):
    o_ref[...] = _dinv_of(d_ref) * h_ref[...]


def _tc_mid_body(a0_ref, a1_ref, hp_ref, d_ref, w_ref, b_ref, o_ref):
    dinv = _dinv_of(d_ref)
    h = dinv * (a0_ref[0] + a1_ref[0] + hp_ref[...]) + b_ref[...]
    h = jnp.maximum(h, 0.0)
    o_ref[...] = dinv * jnp.dot(h, w_ref[...],
                                preferred_element_type=jnp.float32)


def _tc_post_body(a0_ref, a1_ref, hp_ref, d_ref, b_ref, o_ref):
    dinv = _dinv_of(d_ref)
    h = dinv * (a0_ref[0] + a1_ref[0] + hp_ref[...]) + b_ref[...]
    o_ref[...] = jnp.maximum(h, 0.0)


def _row_spec():
    return pl.BlockSpec((_R, D), lambda i: (i, 0))


def _deg_spec():
    return pl.BlockSpec((_R, 1), lambda i: (i, 0))


def _acc_spec(half):
    return pl.BlockSpec((1, _R, D), lambda i: (half, i, 0))


def _full_spec(shape):
    return pl.BlockSpec(shape, lambda i: tuple(0 for _ in shape))


def _tc_mm(x, w):
    return pl.pallas_call(
        _tc_mm_body,
        grid=(N // _R,),
        in_specs=[_row_spec(), _full_spec((D, D))],
        out_specs=_row_spec(),
        out_shape=jax.ShapeDtypeStruct((N, D), jnp.float32),
    )(x, w)


def _tc_scale(h, d):
    return pl.pallas_call(
        _tc_scale_body,
        grid=(N // _R,),
        in_specs=[_row_spec(), _deg_spec()],
        out_specs=_row_spec(),
        out_shape=jax.ShapeDtypeStruct((N, D), jnp.float32),
    )(h, d)


def _tc_mid(accs, hp, d, w, b):
    return pl.pallas_call(
        _tc_mid_body,
        grid=(N // _R,),
        in_specs=[_acc_spec(0), _acc_spec(1), _row_spec(), _deg_spec(),
                  _full_spec((D, D)), _full_spec((1, D))],
        out_specs=_row_spec(),
        out_shape=jax.ShapeDtypeStruct((N, D), jnp.float32),
    )(accs, accs, hp, d, w, b)


def _tc_post(accs, hp, d, b):
    return pl.pallas_call(
        _tc_post_body,
        grid=(N // _R,),
        in_specs=[_acc_spec(0), _acc_spec(1), _row_spec(), _deg_spec(),
                  _full_spec((1, D))],
        out_specs=_row_spec(),
        out_shape=jax.ShapeDtypeStruct((N, D), jnp.float32),
    )(accs, accs, hp, d, b)


def kernel(x, edge_index, W1, b1, W2, b2):
    src = edge_index[0].astype(jnp.int32)
    dst = edge_index[1].astype(jnp.int32)
    n_pad = E_PAD - E
    pad_idx = jnp.arange(n_pad, dtype=jnp.int32)
    pad_src = (pad_idx * 997) % N
    pad_dst = N + pad_idx % DUMP
    src_sl = jnp.concatenate([src, pad_src]).reshape(NW, STEPS, BATCH)
    dst_sl = jnp.concatenate([dst, pad_dst]).reshape(NW, STEPS, BATCH)

    zeros_big = jnp.zeros((NPAD, D), jnp.float32)

    deg = _deg_kernel(dst_sl)
    dcol = (deg[0, :N] + deg[1, :N])[:, None]

    b1r = b1.reshape(1, D)
    b2r = b2.reshape(1, D)

    hp1 = _tc_scale(_tc_mm(x, W1), dcol)
    acc1 = _msg_kernel(hp1, src_sl, dst_sl, zeros_big)
    hp2 = _tc_mid(acc1, hp1, dcol, W2, b1r)
    acc2 = _msg_kernel(hp2, src_sl, dst_sl, zeros_big)
    out = _tc_post(acc2, hp2, dcol, b2r)
    return out

# --- scband reference (transcript-rebuilt; emitter-appended) ---
"""Pipeline reference for scband-gcn-52407190945901 (READ-ONLY COPY).

The authoritative reference and input builder live on the scoring server;
editing this copy changes nothing except your own understanding.
"""

import jax, jax.numpy as jnp
import numpy as np

N_NODES = 10000
N_EDGES = 320000
D = 128


def setup_inputs(seed: int = 0) -> dict:
    key = jax.random.key(seed)
    k1, k2, k3, k4, k5, k6 = jax.random.split(key, 6)
    x = jax.random.normal(k1, (N_NODES, D), dtype=jnp.float32)
    edge_index = jax.random.randint(k2, (2, N_EDGES), 0, N_NODES, dtype=jnp.int64)
    # Glorot-uniform-like init for GCNConv weights (2 layers: 128->128->128)
    limit = float(np.sqrt(6.0 / (D + D)))
    W1 = jax.random.uniform(k3, (D, D), dtype=jnp.float32, minval=-limit, maxval=limit)
    b1 = jnp.zeros((D,), dtype=jnp.float32)
    W2 = jax.random.uniform(k4, (D, D), dtype=jnp.float32, minval=-limit, maxval=limit)
    b2 = jnp.zeros((D,), dtype=jnp.float32)
    return {"x": x, "edge_index": edge_index, "W1": W1, "b1": b1, "W2": W2, "b2": b2}


def _gcn_conv(x, src, dst, W, b, num_nodes):
    # GCNConv: add self loops, symmetric normalization D^-1/2 A_hat D^-1/2 X W + b
    h = x @ W
    deg = jnp.zeros((num_nodes,), dtype=jnp.float32).at[dst].add(1.0)
    dinv = jnp.where(deg > 0, 1.0 / jnp.sqrt(deg), 0.0)
    norm = dinv[src] * dinv[dst]
    msg = jnp.take(h, src, axis=0) * norm[:, None]
    out = jax.ops.segment_sum(msg, dst, num_segments=num_nodes)
    return out + b


def reference(x, edge_index, W1, b1, W2, b2):
    num_nodes = x.shape[0]
    loop = jnp.arange(num_nodes, dtype=edge_index.dtype)
    src = jnp.concatenate([edge_index[0], loop])
    dst = jnp.concatenate([edge_index[1], loop])
    # Layer 1: GCNConv + ReLU
    h = _gcn_conv(x, src, dst, W1, b1, num_nodes)
    h = jax.nn.relu(h)
    # Layer 2: GCNConv + ReLU
    h = _gcn_conv(h, src, dst, W2, b2, num_nodes)
    h = jax.nn.relu(h)
    # head = Identity
    return h

if __name__ == "__main__":
    import jax
    _d = setup_inputs()
    print(jax.jit(kernel)(*tuple(_d.values())))

</pallas_src>

<mosaic_0001>
#map = affine_map<(d0, d1) -> (0, 0, 0)>
#map1 = affine_map<(d0, d1) -> (0, 0)>
module attributes {stable_mosaic.version = 14 : i64} {
  func.func @_deg_kernel(%arg0: i32, %arg1: i32, %arg2: memref<32x79x128xi32, #tpu.memory_space<hbm>>, %arg3: memref<2x10240xf32, #tpu.memory_space<hbm>>, %arg4: memref<16x10240xf32, #tpu.memory_space<vmem_shared>>, %arg5: memref<79x128xi32, #tpu.memory_space<vmem>>, %arg6: memref<10240xf32, #tpu.memory_space<vmem>>, %arg7: memref<16x640xf32, #tpu.memory_space<vmem>>, %arg8: memref<640xf32, #tpu.memory_space<vmem>>) attributes {dimension_semantics = [#tpu.dimension_semantics<core_parallel>, #tpu.dimension_semantics<subcore_parallel>], iteration_bounds = array<i64: 2, 16>, scalar_prefetch = 0 : i64, scratch_operands = 5 : i64, tpu.core_type = #tpu.core_type<sc_vector_subcore>, window_params = [{transform_indices = #map}, {transform_indices = #map1}]} {
    %mul3A = arith.constant 16 : i32
    %mul3A_0 = arith.muli %arg0, %mul3A : i32
    %add3A = arith.addi %mul3A_0, %arg1 : i32
    "tpu.region"() ({
      %run_scoped3A = tpu.sem_alloc : memref<!tpu.dma_semaphore, #tpu.memory_space<semaphore_mem>>
      %dma_start3A = arith.constant 0 : i32
      %dma_start3A_23 = arith.constant 0 : i32
      %dma_start3A_24 = tpu.memref_slice %arg2[%add3A, %dma_start3A, %dma_start3A_23] : memref<32x79x128xi32, #tpu.memory_space<hbm>> -> memref<1x79x128xi32, #tpu.memory_space<hbm>>
      %dma_start3A_25 = tpu.memref_squeeze %dma_start3A_24 : memref<1x79x128xi32, #tpu.memory_space<hbm>> -> memref<79x128xi32, #tpu.memory_space<hbm>>
      %dma_start3A_26 = arith.constant 0 : i32
      %dma_start3A_27 = arith.constant 0 : i32
      %dma_start3A_28 = tpu.memref_slice %arg2[%add3A, %dma_start3A_26, %dma_start3A_27] : memref<32x79x128xi32, #tpu.memory_space<hbm>> -> memref<1x79x128xi32, #tpu.memory_space<hbm>>
      %dma_start3A_29 = tpu.memref_squeeze %dma_start3A_28 : memref<1x79x128xi32, #tpu.memory_space<hbm>> -> memref<79x128xi32, #tpu.memory_space<hbm>>
      tpu.enqueue_dma source(%dma_start3A_29 : memref<79x128xi32, #tpu.memory_space<hbm>>) target(%arg5 : memref<79x128xi32, #tpu.memory_space<vmem>>) target_semaphore(%run_scoped3A : memref<!tpu.dma_semaphore, #tpu.memory_space<semaphore_mem>>)
      %dma_wait3A = arith.constant 0 : i32
      %dma_wait3A_30 = arith.constant 0 : i32
      %dma_wait3A_31 = tpu.memref_slice %arg2[%add3A, %dma_wait3A, %dma_wait3A_30] : memref<32x79x128xi32, #tpu.memory_space<hbm>> -> memref<1x79x128xi32, #tpu.memory_space<hbm>>
      %dma_wait3A_32 = tpu.memref_squeeze %dma_wait3A_31 : memref<1x79x128xi32, #tpu.memory_space<hbm>> -> memref<79x128xi32, #tpu.memory_space<hbm>>
      %dma_wait3A_33 = arith.constant 0 : i32
      %dma_wait3A_34 = arith.constant 0 : i32
      %dma_wait3A_35 = tpu.memref_slice %arg2[%add3A, %dma_wait3A_33, %dma_wait3A_34] : memref<32x79x128xi32, #tpu.memory_space<hbm>> -> memref<1x79x128xi32, #tpu.memory_space<hbm>>
      %dma_wait3A_36 = tpu.memref_squeeze %dma_wait3A_35 : memref<1x79x128xi32, #tpu.memory_space<hbm>> -> memref<79x128xi32, #tpu.memory_space<hbm>>
      tpu.wait_dma2 semaphore(%run_scoped3A : memref<!tpu.dma_semaphore, #tpu.memory_space<semaphore_mem>>) src(%dma_wait3A_36 : memref<79x128xi32, #tpu.memory_space<hbm>>) dst(%arg5 : memref<79x128xi32, #tpu.memory_space<vmem>>)
      tpu.yield
    }) : () -> ()
    %broadcast_in_dim3A = arith.constant 0.000000e+00 : f32
    %broadcast_in_dim3A_1 = vector.broadcast %broadcast_in_dim3A : f32 to vector<16xf32>
    %scan3A = arith.constant 0 : i32
    %scan3A_2 = arith.constant 0 : i32
    %scan3A_3 = arith.constant 640 : i32
    %scan3A_4 = arith.addi %scan3A_2, %scan3A_3 : i32
    %scan3A_5 = arith.constant 1 : i32
    scf.for %scan3A_23 = %scan3A_2 to %scan3A_4 step %scan3A_5  : i32 {
      %mul3A_24 = arith.constant 16 : i32
      %mul3A_25 = arith.muli %scan3A_23, %mul3A_24 : i32
      %swap3A = arith.index_cast %mul3A_25 : i32 to index
      %swap3A_26 = tpu.vector_load %arg6[%swap3A] {strides = array<i32>} : memref<10240xf32, #tpu.memory_space<vmem>>, vector<16xf32>,
      tpu.vector_store %arg6[%swap3A], %broadcast_in_dim3A_1 {strides = array<i32>} : memref<10240xf32, #tpu.memory_space<vmem>>, vector<16xf32>,
    }
    %scan3A_6 = arith.constant 640 : i32
    %scan3A_7 = arith.constant 0 : i32
    %scan3A_8 = arith.constant 0 : i32
    %scan3A_9 = arith.constant 79 : i32
    %scan3A_10 = arith.addi %scan3A_8, %scan3A_9 : i32
    %scan3A_11 = arith.constant 1 : i32
    scf.for %scan3A_23 = %scan3A_8 to %scan3A_10 step %scan3A_11  : i32 {
      %get3A = arith.index_cast %scan3A_23 : i32 to index
      %get3A_24 = arith.constant 0 : index
      %get3A_25 = tpu.vector_load %arg5[%get3A, %get3A_24] {strides = array<i32>} : memref<79x128xi32, #tpu.memory_space<vmem>>, vector<16xi32>,
      %broadcast_in_dim3A_26 = arith.constant true
      %broadcast_in_dim3A_27 = vector.broadcast %broadcast_in_dim3A_26 : i1 to vector<16xi1>
      %unique3A, %unique3A_28 = tpu.scan_count mask(%broadcast_in_dim3A_27 : vector<16xi1>) value(%get3A_25 : vector<16xi32>) : vector<16xi1>, vector<16xi32>
      %convert_element_type3A = arith.sitofp %unique3A_28 : vector<16xi32> to vector<16xf32>
      tpu.vector_store_idx %arg6[%get3A_25], %convert_element_type3A masked %unique3A {add = true} : memref<10240xf32, #tpu.memory_space<vmem>>[vector<16xi32>], vector<16xf32>, vector<16xi1>
      %get3A_29 = arith.index_cast %scan3A_23 : i32 to index
      %get3A_30 = arith.constant 16 : index
      %get3A_31 = tpu.vector_load %arg5[%get3A_29, %get3A_30] {strides = array<i32>} : memref<79x128xi32, #tpu.memory_space<vmem>>, vector<16xi32>,
      %broadcast_in_dim3A_32 = arith.constant true
      %broadcast_in_dim3A_33 = vector.broadcast %broadcast_in_dim3A_32 : i1 to vector<16xi1>
      %unique3A_34, %unique3A_35 = tpu.scan_count mask(%broadcast_in_dim3A_33 : vector<16xi1>) value(%get3A_31 : vector<16xi32>) : vector<16xi1>, vector<16xi32>
      %convert_element_type3A_36 = arith.sitofp %unique3A_35 : vector<16xi32> to vector<16xf32>
      tpu.vector_store_idx %arg6[%get3A_31], %convert_element_type3A_36 masked %unique3A_34 {add = true} : memref<10240xf32, #tpu.memory_space<vmem>>[vector<16xi32>], vector<16xf32>, vector<16xi1>
      %get3A_37 = arith.index_cast %scan3A_23 : i32 to index
      %get3A_38 = arith.constant 32 : index
      %get3A_39 = tpu.vector_load %arg5[%get3A_37, %get3A_38] {strides = array<i32>} : memref<79x128xi32, #tpu.memory_space<vmem>>, vector<16xi32>,
      %broadcast_in_dim3A_40 = arith.constant true
      %broadcast_in_dim3A_41 = vector.broadcast %broadcast_in_dim3A_40 : i1 to vector<16xi1>
      %unique3A_42, %unique3A_43 = tpu.scan_count mask(%broadcast_in_dim3A_41 : vector<16xi1>) value(%get3A_39 : vector<16xi32>) : vector<16xi1>, vector<16xi32>
      %convert_element_type3A_44 = arith.sitofp %unique3A_43 : vector<16xi32> to vector<16xf32>
      tpu.vector_store_idx %arg6[%get3A_39], %convert_element_type3A_44 masked %unique3A_42 {add = true} : memref<10240xf32, #tpu.memory_space<vmem>>[vector<16xi32>], vector<16xf32>, vector<16xi1>
      %get3A_45 = arith.index_cast %scan3A_23 : i32 to index
      %get3A_46 = arith.constant 48 : index
      %get3A_47 = tpu.vector_load %arg5[%get3A_45, %get3A_46] {strides = array<i32>} : memref<79x128xi32, #tpu.memory_space<vmem>>, vector<16xi32>,
      %broadcast_in_dim3A_48 = arith.constant true
      %broadcast_in_dim3A_49 = vector.broadcast %broadcast_in_dim3A_48 : i1 to vector<16xi1>
      %unique3A_50, %unique3A_51 = tpu.scan_count mask(%broadcast_in_dim3A_49 : vector<16xi1>) value(%get3A_47 : vector<16xi32>) : vector<16xi1>, vector<16xi32>
      %convert_element_type3A_52 = arith.sitofp %unique3A_51 : vector<16xi32> to vector<16xf32>
      tpu.vector_store_idx %arg6[%get3A_47], %convert_element_type3A_52 masked %unique3A_50 {add = true} : memref<10240xf32, #tpu.memory_space<vmem>>[vector<16xi32>], vector<16xf32>, vector<16xi1>
      %get3A_53 = arith.index_cast %scan3A_23 : i32 to index
      %get3A_54 = arith.constant 64 : index
      %get3A_55 = tpu.vector_load %arg5[%get3A_53, %get3A_54] {strides = array<i32>} : memref<79x128xi32, #tpu.memory_space<vmem>>, vector<16xi32>,
      %broadcast_in_dim3A_56 = arith.constant true
      %broadcast_in_dim3A_57 = vector.broadcast %broadcast_in_dim3A_56 : i1 to vector<16xi1>
      %unique3A_58, %unique3A_59 = tpu.scan_count mask(%broadcast_in_dim3A_57 : vector<16xi1>) value(%get3A_55 : vector<16xi32>) : vector<16xi1>, vector<16xi32>
      %convert_element_type3A_60 = arith.sitofp %unique3A_59 : vector<16xi32> to vector<16xf32>
      tpu.vector_store_idx %arg6[%get3A_55], %convert_element_type3A_60 masked %unique3A_58 {add = true} : memref<10240xf32, #tpu.memory_space<vmem>>[vector<16xi32>], vector<16xf32>, vector<16xi1>
      %get3A_61 = arith.index_cast %scan3A_23 : i32 to index
      %get3A_62 = arith.constant 80 : index
      %get3A_63 = tpu.vector_load %arg5[%get3A_61, %get3A_62] {strides = array<i32>} : memref<79x128xi32, #tpu.memory_space<vmem>>, vector<16xi32>,
      %broadcast_in_dim3A_64 = arith.constant true
      %broadcast_in_dim3A_65 = vector.broadcast %broadcast_in_dim3A_64 : i1 to vector<16xi1>
      %unique3A_66, %unique3A_67 = tpu.scan_count mask(%broadcast_in_dim3A_65 : vector<16xi1>) value(%get3A_63 : vector<16xi32>) : vector<16xi1>, vector<16xi32>
      %convert_element_type3A_68 = arith.sitofp %unique3A_67 : vector<16xi32> to vector<16xf32>
      tpu.vector_store_idx %arg6[%get3A_63], %convert_element_type3A_68 masked %unique3A_66 {add = true} : memref<10240xf32, #tpu.memory_space<vmem>>[vector<16xi32>], vector<16xf32>, vector<16xi1>
      %get3A_69 = arith.index_cast %scan3A_23 : i32 to index
      %get3A_70 = arith.constant 96 : index
      %get3A_71 = tpu.vector_load %arg5[%get3A_69, %get3A_70] {strides = array<i32>} : memref<79x128xi32, #tpu.memory_space<vmem>>, vector<16xi32>,
      %broadcast_in_dim3A_72 = arith.constant true
      %broadcast_in_dim3A_73 = vector.broadcast %broadcast_in_dim3A_72 : i1 to vector<16xi1>
      %unique3A_74, %unique3A_75 = tpu.scan_count mask(%broadcast_in_dim3A_73 : vector<16xi1>) value(%get3A_71 : vector<16xi32>) : vector<16xi1>, vector<16xi32>
      %convert_element_type3A_76 = arith.sitofp %unique3A_75 : vector<16xi32> to vector<16xf32>
      tpu.vector_store_idx %arg6[%get3A_71], %convert_element_type3A_76 masked %unique3A_74 {add = true} : memref<10240xf32, #tpu.memory_space<vmem>>[vector<16xi32>], vector<16xf32>, vector<16xi1>
      %get3A_77 = arith.index_cast %scan3A_23 : i32 to index
      %get3A_78 = arith.constant 112 : index
      %get3A_79 = tpu.vector_load %arg5[%get3A_77, %get3A_78] {strides = array<i32>} : memref<79x128xi32, #tpu.memory_space<vmem>>, vector<16xi32>,
      %broadcast_in_dim3A_80 = arith.constant true
      %broadcast_in_dim3A_81 = vector.broadcast %broadcast_in_dim3A_80 : i1 to vector<16xi1>
      %unique3A_82, %unique3A_83 = tpu.scan_count mask(%broadcast_in_dim3A_81 : vector<16xi1>) value(%get3A_79 : vector<16xi32>) : vector<16xi1>, vector<16xi32>
      %convert_element_type3A_84 = arith.sitofp %unique3A_83 : vector<16xi32> to vector<16xf32>
      tpu.vector_store_idx %arg6[%get3A_79], %convert_element_type3A_84 masked %unique3A_82 {add = true} : memref<10240xf32, #tpu.memory_space<vmem>>[vector<16xi32>], vector<16xf32>, vector<16xi1>
    }
    %scan3A_12 = arith.constant 79 : i32
    "tpu.region"() ({
      %run_scoped3A = tpu.sem_alloc : memref<!tpu.dma_semaphore, #tpu.memory_space<semaphore_mem>>
      %dma_start3A = arith.constant 0 : i32
      %dma_start3A_23 = tpu.memref_slice %arg4[%arg1, %dma_start3A] : memref<16x10240xf32, #tpu.memory_space<vmem_shared>> -> memref<1x10240xf32, #tpu.memory_space<vmem_shared>>
      %dma_start3A_24 = tpu.memref_squeeze %dma_start3A_23 : memref<1x10240xf32, #tpu.memory_space<vmem_shared>> -> memref<10240xf32, #tpu.memory_space<vmem_shared>>
      %dma_start3A_25 = arith.constant 0 : i32
      %dma_start3A_26 = tpu.memref_slice %arg4[%arg1, %dma_start3A_25] : memref<16x10240xf32, #tpu.memory_space<vmem_shared>> -> memref<1x10240xf32, #tpu.memory_space<vmem_shared>>
      %dma_start3A_27 = tpu.memref_squeeze %dma_start3A_26 : memref<1x10240xf32, #tpu.memory_space<vmem_shared>> -> memref<10240xf32, #tpu.memory_space<vmem_shared>>
      tpu.enqueue_dma source(%arg6 : memref<10240xf32, #tpu.memory_space<vmem>>) target(%dma_start3A_27 : memref<10240xf32, #tpu.memory_space<vmem_shared>>) target_semaphore(%run_scoped3A : memref<!tpu.dma_semaphore, #tpu.memory_space<semaphore_mem>>)
      %dma_wait3A = arith.constant 0 : i32
      %dma_wait3A_28 = tpu.memref_slice %arg4[%arg1, %dma_wait3A] : memref<16x10240xf32, #tpu.memory_space<vmem_shared>> -> memref<1x10240xf32, #tpu.memory_space<vmem_shared>>
      %dma_wait3A_29 = tpu.memref_squeeze %dma_wait3A_28 : memref<1x10240xf32, #tpu.memory_space<vmem_shared>> -> memref<10240xf32, #tpu.memory_space<vmem_shared>>
      %dma_wait3A_30 = arith.constant 0 : i32
      %dma_wait3A_31 = tpu.memref_slice %arg4[%arg1, %dma_wait3A_30] : memref<16x10240xf32, #tpu.memory_space<vmem_shared>> -> memref<1x10240xf32, #tpu.memory_space<vmem_shared>>
      %dma_wait3A_32 = tpu.memref_squeeze %dma_wait3A_31 : memref<1x10240xf32, #tpu.memory_space<vmem_shared>> -> memref<10240xf32, #tpu.memory_space<vmem_shared>>
      tpu.wait_dma2 semaphore(%run_scoped3A : memref<!tpu.dma_semaphore, #tpu.memory_space<semaphore_mem>>) src(%arg6 : memref<10240xf32, #tpu.memory_space<vmem>>) dst(%dma_wait3A_32 : memref<10240xf32, #tpu.memory_space<vmem_shared>>)
      tpu.yield
    }) : () -> ()
    %barrier3A = arith.constant 0 : index
    tpu.barrier barrier_id(%barrier3A)
    %mul3A_13 = arith.constant 640 : i32
    %mul3A_14 = arith.muli %arg1, %mul3A_13 : i32
    "tpu.region"() ({
      %run_scoped3A = tpu.sem_alloc : memref<!tpu.dma_semaphore, #tpu.memory_space<semaphore_mem>>
      %dma_start3A = arith.constant 0 : i32
      %dma_start3A_23 = tpu.memref_slice %arg4[%dma_start3A, %mul3A_14] : memref<16x10240xf32, #tpu.memory_space<vmem_shared>> -> memref<16x640xf32, #tpu.memory_space<vmem_shared>>
      %dma_start3A_24 = arith.constant 0 : i32
      %dma_start3A_25 = tpu.memref_slice %arg4[%dma_start3A_24, %mul3A_14] : memref<16x10240xf32, #tpu.memory_space<vmem_shared>> -> memref<16x640xf32, #tpu.memory_space<vmem_shared>>
      tpu.enqueue_dma source(%dma_start3A_25 : memref<16x640xf32, #tpu.memory_space<vmem_shared>>) target(%arg7 : memref<16x640xf32, #tpu.memory_space<vmem>>) target_semaphore(%run_scoped3A : memref<!tpu.dma_semaphore, #tpu.memory_space<semaphore_mem>>)
      %dma_wait3A = arith.constant 0 : i32
      %dma_wait3A_26 = tpu.memref_slice %arg4[%dma_wait3A, %mul3A_14] : memref<16x10240xf32, #tpu.memory_space<vmem_shared>> -> memref<16x640xf32, #tpu.memory_space<vmem_shared>>
      %dma_wait3A_27 = arith.constant 0 : i32
      %dma_wait3A_28 = tpu.memref_slice %arg4[%dma_wait3A_27, %mul3A_14] : memref<16x10240xf32, #tpu.memory_space<vmem_shared>> -> memref<16x640xf32, #tpu.memory_space<vmem_shared>>
      tpu.wait_dma2 semaphore(%run_scoped3A : memref<!tpu.dma_semaphore, #tpu.memory_space<semaphore_mem>>) src(%dma_wait3A_28 : memref<16x640xf32, #tpu.memory_space<vmem_shared>>) dst(%arg7 : memref<16x640xf32, #tpu.memory_space<vmem>>)
      tpu.yield
    }) : () -> ()
    %scan3A_15 = arith.constant 0 : i32
    %scan3A_16 = arith.constant 0 : i32
    %scan3A_17 = arith.constant 40 : i32
    %scan3A_18 = arith.addi %scan3A_16, %scan3A_17 : i32
    %scan3A_19 = arith.constant 1 : i32
    scf.for %scan3A_23 = %scan3A_16 to %scan3A_18 step %scan3A_19  : i32 {
      %mul3A_24 = arith.constant 16 : i32
      %mul3A_25 = arith.muli %scan3A_23, %mul3A_24 : i32
      %get3A = arith.constant 0 : i32
      %get3A_26 = arith.index_cast %get3A : i32 to index
      %get3A_27 = arith.index_cast %mul3A_25 : i32 to index
      %get3A_28 = tpu.vector_load %arg7[%get3A_26, %get3A_27] {strides = array<i32>} : memref<16x640xf32, #tpu.memory_space<vmem>>, vector<16xf32>,
      %add3A_29 = arith.addf %broadcast_in_dim3A_1, %get3A_28 : vector<16xf32>
      %mul3A_30 = arith.constant 16 : i32
      %mul3A_31 = arith.muli %scan3A_23, %mul3A_30 : i32
      %get3A_32 = arith.constant 1 : i32
      %get3A_33 = arith.index_cast %get3A_32 : i32 to index
      %get3A_34 = arith.index_cast %mul3A_31 : i32 to index
      %get3A_35 = tpu.vector_load %arg7[%get3A_33, %get3A_34] {strides = array<i32>} : memref<16x640xf32, #tpu.memory_space<vmem>>, vector<16xf32>,
      %add3A_36 = arith.addf %add3A_29, %get3A_35 : vector<16xf32>
      %mul3A_37 = arith.constant 16 : i32
      %mul3A_38 = arith.muli %scan3A_23, %mul3A_37 : i32
      %get3A_39 = arith.constant 2 : i32
      %get3A_40 = arith.index_cast %get3A_39 : i32 to index
      %get3A_41 = arith.index_cast %mul3A_38 : i32 to index
      %get3A_42 = tpu.vector_load %arg7[%get3A_40, %get3A_41] {strides = array<i32>} : memref<16x640xf32, #tpu.memory_space<vmem>>, vector<16xf32>,
      %add3A_43 = arith.addf %add3A_36, %get3A_42 : vector<16xf32>
      %mul3A_44 = arith.constant 16 : i32
      %mul3A_45 = arith.muli %scan3A_23, %mul3A_44 : i32
      %get3A_46 = arith.constant 3 : i32
      %get3A_47 = arith.index_cast %get3A_46 : i32 to index
      %get3A_48 = arith.index_cast %mul3A_45 : i32 to index
      %get3A_49 = tpu.vector_load %arg7[%get3A_47, %get3A_48] {strides = array<i32>} : memref<16x640xf32, #tpu.memory_space<vmem>>, vector<16xf32>,
      %add3A_50 = arith.addf %add3A_43, %get3A_49 : vector<16xf32>
      %mul3A_51 = arith.constant 16 : i32
      %mul3A_52 = arith.muli %scan3A_23, %mul3A_51 : i32
      %get3A_53 = arith.constant 4 : i32
      %get3A_54 = arith.index_cast %get3A_53 : i32 to index
      %get3A_55 = arith.index_cast %mul3A_52 : i32 to index
      %get3A_56 = tpu.vector_load %arg7[%get3A_54, %get3A_55] {strides = array<i32>} : memref<16x640xf32, #tpu.memory_space<vmem>>, vector<16xf32>,
      %add3A_57 = arith.addf %add3A_50, %get3A_56 : vector<16xf32>
      %mul3A_58 = arith.constant 16 : i32
      %mul3A_59 = arith.muli %scan3A_23, %mul3A_58 : i32
      %get3A_60 = arith.constant 5 : i32
      %get3A_61 = arith.index_cast %get3A_60 : i32 to index
      %get3A_62 = arith.index_cast %mul3A_59 : i32 to index
      %get3A_63 = tpu.vector_load %arg7[%get3A_61, %get3A_62] {strides = array<i32>} : memref<16x640xf32, #tpu.memory_space<vmem>>, vector<16xf32>,
      %add3A_64 = arith.addf %add3A_57, %get3A_63 : vector<16xf32>
      %mul3A_65 = arith.constant 16 : i32
      %mul3A_66 = arith.muli %scan3A_23, %mul3A_65 : i32
      %get3A_67 = arith.constant 6 : i32
      %get3A_68 = arith.index_cast %get3A_67 : i32 to index
      %get3A_69 = arith.index_cast %mul3A_66 : i32 to index
      %get3A_70 = tpu.vector_load %arg7[%get3A_68, %get3A_69] {strides = array<i32>} : memref<16x640xf32, #tpu.memory_space<vmem>>, vector<16xf32>,
      %add3A_71 = arith.addf %add3A_64, %get3A_70 : vector<16xf32>
      %mul3A_72 = arith.constant 16 : i32
      %mul3A_73 = arith.muli %scan3A_23, %mul3A_72 : i32
      %get3A_74 = arith.constant 7 : i32
      %get3A_75 = arith.index_cast %get3A_74 : i32 to index
      %get3A_76 = arith.index_cast %mul3A_73 : i32 to index
      %get3A_77 = tpu.vector_load %arg7[%get3A_75, %get3A_76] {strides = array<i32>} : memref<16x640xf32, #tpu.memory_space<vmem>>, vector<16xf32>,
      %add3A_78 = arith.addf %add3A_71, %get3A_77 : vector<16xf32>
      %mul3A_79 = arith.constant 16 : i32
      %mul3A_80 = arith.muli %scan3A_23, %mul3A_79 : i32
      %get3A_81 = arith.constant 8 : i32
      %get3A_82 = arith.index_cast %get3A_81 : i32 to index
      %get3A_83 = arith.index_cast %mul3A_80 : i32 to index
      %get3A_84 = tpu.vector_load %arg7[%get3A_82, %get3A_83] {strides = array<i32>} : memref<16x640xf32, #tpu.memory_space<vmem>>, vector<16xf32>,
      %add3A_85 = arith.addf %add3A_78, %get3A_84 : vector<16xf32>
      %mul3A_86 = arith.constant 16 : i32
      %mul3A_87 = arith.muli %scan3A_23, %mul3A_86 : i32
      %get3A_88 = arith.constant 9 : i32
      %get3A_89 = arith.index_cast %get3A_88 : i32 to index
      %get3A_90 = arith.index_cast %mul3A_87 : i32 to index
      %get3A_91 = tpu.vector_load %arg7[%get3A_89, %get3A_90] {strides = array<i32>} : memref<16x640xf32, #tpu.memory_space<vmem>>, vector<16xf32>,
      %add3A_92 = arith.addf %add3A_85, %get3A_91 : vector<16xf32>
      %mul3A_93 = arith.constant 16 : i32
      %mul3A_94 = arith.muli %scan3A_23, %mul3A_93 : i32
      %get3A_95 = arith.constant 10 : i32
      %get3A_96 = arith.index_cast %get3A_95 : i32 to index
      %get3A_97 = arith.index_cast %mul3A_94 : i32 to index
      %get3A_98 = tpu.vector_load %arg7[%get3A_96, %get3A_97] {strides = array<i32>} : memref<16x640xf32, #tpu.memory_space<vmem>>, vector<16xf32>,
      %add3A_99 = arith.addf %add3A_92, %get3A_98 : vector<16xf32>
      %mul3A_100 = arith.constant 16 : i32
      %mul3A_101 = arith.muli %scan3A_23, %mul3A_100 : i32
      %get3A_102 = arith.constant 11 : i32
      %get3A_103 = arith.index_cast %get3A_102 : i32 to index
      %get3A_104 = arith.index_cast %mul3A_101 : i32 to index
      %get3A_105 = tpu.vector_load %arg7[%get3A_103, %get3A_104] {strides = array<i32>} : memref<16x640xf32, #tpu.memory_space<vmem>>, vector<16xf32>,
      %add3A_106 = arith.addf %add3A_99, %get3A_105 : vector<16xf32>
      %mul3A_107 = arith.constant 16 : i32
      %mul3A_108 = arith.muli %scan3A_23, %mul3A_107 : i32
      %get3A_109 = arith.constant 12 : i32
      %get3A_110 = arith.index_cast %get3A_109 : i32 to index
      %get3A_111 = arith.index_cast %mul3A_108 : i32 to index
      %get3A_112 = tpu.vector_load %arg7[%get3A_110, %get3A_111] {strides = array<i32>} : memref<16x640xf32, #tpu.memory_space<vmem>>, vector<16xf32>,
      %add3A_113 = arith.addf %add3A_106, %get3A_112 : vector<16xf32>
      %mul3A_114 = arith.constant 16 : i32
      %mul3A_115 = arith.muli %scan3A_23, %mul3A_114 : i32
      %get3A_116 = arith.constant 13 : i32
      %get3A_117 = arith.index_cast %get3A_116 : i32 to index
      %get3A_118 = arith.index_cast %mul3A_115 : i32 to index
      %get3A_119 = tpu.vector_load %arg7[%get3A_117, %get3A_118] {strides = array<i32>} : memref<16x640xf32, #tpu.memory_space<vmem>>, vector<16xf32>,
      %add3A_120 = arith.addf %add3A_113, %get3A_119 : vector<16xf32>
      %mul3A_121 = arith.constant 16 : i32
      %mul3A_122 = arith.muli %scan3A_23, %mul3A_121 : i32
      %get3A_123 = arith.constant 14 : i32
      %get3A_124 = arith.index_cast %get3A_123 : i32 to index
      %get3A_125 = arith.index_cast %mul3A_122 : i32 to index
      %get3A_126 = tpu.vector_load %arg7[%get3A_124, %get3A_125] {strides = array<i32>} : memref<16x640xf32, #tpu.memory_space<vmem>>, vector<16xf32>,
      %add3A_127 = arith.addf %add3A_120, %get3A_126 : vector<16xf32>
      %mul3A_128 = arith.constant 16 : i32
      %mul3A_129 = arith.muli %scan3A_23, %mul3A_128 : i32
      %get3A_130 = arith.constant 15 : i32
      %get3A_131 = arith.index_cast %get3A_130 : i32 to index
      %get3A_132 = arith.index_cast %mul3A_129 : i32 to index
      %get3A_133 = tpu.vector_load %arg7[%get3A_131, %get3A_132] {strides = array<i32>} : memref<16x640xf32, #tpu.memory_space<vmem>>, vector<16xf32>,
      %add3A_134 = arith.addf %add3A_127, %get3A_133 : vector<16xf32>
      %mul3A_135 = arith.constant 16 : i32
      %mul3A_136 = arith.muli %scan3A_23, %mul3A_135 : i32
      %swap3A = arith.index_cast %mul3A_136 : i32 to index
      %swap3A_137 = tpu.vector_load %arg8[%swap3A] {strides = array<i32>} : memref<640xf32, #tpu.memory_space<vmem>>, vector<16xf32>,
      tpu.vector_store %arg8[%swap3A], %add3A_134 {strides = array<i32>} : memref<640xf32, #tpu.memory_space<vmem>>, vector<16xf32>,
    }
    %scan3A_20 = arith.constant 40 : i32
    %mul3A_21 = arith.constant 640 : i32
    %mul3A_22 = arith.muli %arg1, %mul3A_21 : i32
    "tpu.region"() ({
      %run_scoped3A = tpu.sem_alloc : memref<!tpu.dma_semaphore, #tpu.memory_space<semaphore_mem>>
      %dma_start3A = tpu.memref_slice %arg3[%arg0, %mul3A_22] : memref<2x10240xf32, #tpu.memory_space<hbm>> -> memref<1x640xf32, #tpu.memory_space<hbm>>
      %dma_start3A_23 = tpu.memref_squeeze %dma_start3A : memref<1x640xf32, #tpu.memory_space<hbm>> -> memref<640xf32, #tpu.memory_space<hbm>>
      %dma_start3A_24 = tpu.memref_slice %arg3[%arg0, %mul3A_22] : memref<2x10240xf32, #tpu.memory_space<hbm>> -> memref<1x640xf32, #tpu.memory_space<hbm>>
      %dma_start3A_25 = tpu.memref_squeeze %dma_start3A_24 : memref<1x640xf32, #tpu.memory_space<hbm>> -> memref<640xf32, #tpu.memory_space<hbm>>
      tpu.enqueue_dma source(%arg8 : memref<640xf32, #tpu.memory_space<vmem>>) target(%dma_start3A_25 : memref<640xf32, #tpu.memory_space<hbm>>) target_semaphore(%run_scoped3A : memref<!tpu.dma_semaphore, #tpu.memory_space<semaphore_mem>>)
      %dma_wait3A = tpu.memref_slice %arg3[%arg0, %mul3A_22] : memref<2x10240xf32, #tpu.memory_space<hbm>> -> memref<1x640xf32, #tpu.memory_space<hbm>>
      %dma_wait3A_26 = tpu.memref_squeeze %dma_wait3A : memref<1x640xf32, #tpu.memory_space<hbm>> -> memref<640xf32, #tpu.memory_space<hbm>>
      %dma_wait3A_27 = tpu.memref_slice %arg3[%arg0, %mul3A_22] : memref<2x10240xf32, #tpu.memory_space<hbm>> -> memref<1x640xf32, #tpu.memory_space<hbm>>
      %dma_wait3A_28 = tpu.memref_squeeze %dma_wait3A_27 : memref<1x640xf32, #tpu.memory_space<hbm>> -> memref<640xf32, #tpu.memory_space<hbm>>
      tpu.wait_dma2 semaphore(%run_scoped3A : memref<!tpu.dma_semaphore, #tpu.memory_space<semaphore_mem>>) src(%arg8 : memref<640xf32, #tpu.memory_space<vmem>>) dst(%dma_wait3A_28 : memref<640xf32, #tpu.memory_space<hbm>>)
      tpu.yield
    }) : () -> ()
    return
  }
}

#map = affine_map<(d0, d1) -> (0, 0)>
#map1 = affine_map<(d0, d1) -> (0, 0, 0)>
module attributes {stable_mosaic.version = 14 : i64} {
  func.func @_msg_kernel(%arg0: i32, %arg1: i32, %arg2: memref<10000x128xf32, #tpu.memory_space<hbm>>, %arg3: memref<32x79x128xi32, #tpu.memory_space<hbm>>, %arg4: memref<32x79x128xi32, #tpu.memory_space<hbm>>, %arg5: memref<10240x128xf32, #tpu.memory_space<hbm>>, %arg6: memref<2x10240x128xf32, #tpu.memory_space<hbm>>, %arg7: memref<10240x128xf32, #tpu.memory_space<vmem_shared>>, %arg8: memref<79x128xi32, #tpu.memory_space<vmem>>, %arg9: memref<2x128xi32, #tpu.memory_space<vmem>>, %arg10: memref<2x128x128xf32, #tpu.memory_space<vmem>>, %arg11: memref<!tpu.dma_semaphore, #tpu.memory_space<semaphore_mem>>, %arg12: memref<!tpu.dma_semaphore, #tpu.memory_space<semaphore_mem>>) attributes {dimension_semantics = [#tpu.dimension_semantics<core_parallel>, #tpu.dimension_semantics<subcore_parallel>], iteration_bounds = array<i64: 2, 16>, scalar_prefetch = 0 : i64, scratch_operands = 6 : i64, tpu.core_type = #tpu.core_type<sc_vector_subcore>, window_params = [{transform_indices = #map}, {transform_indices = #map1}, {transform_indices = #map1}, {transform_indices = #map}, {transform_indices = #map1}]} {
    %mul3A = arith.constant 16 : i32
    %mul3A_0 = arith.muli %arg0, %mul3A : i32
    %add3A = arith.addi %mul3A_0, %arg1 : i32
    "tpu.region"() ({
      %run_scoped3A = tpu.sem_alloc : memref<!tpu.dma_semaphore, #tpu.memory_space<semaphore_mem>>
      %dma_start3A_40 = arith.constant 0 : i32
      %dma_start3A_41 = arith.constant 0 : i32
      %dma_start3A_42 = tpu.memref_slice %arg3[%add3A, %dma_start3A_40, %dma_start3A_41] : memref<32x79x128xi32, #tpu.memory_space<hbm>> -> memref<1x79x128xi32, #tpu.memory_space<hbm>>
      %dma_start3A_43 = tpu.memref_squeeze %dma_start3A_42 : memref<1x79x128xi32, #tpu.memory_space<hbm>> -> memref<79x128xi32, #tpu.memory_space<hbm>>
      %dma_start3A_44 = arith.constant 0 : i32
      %dma_start3A_45 = arith.constant 0 : i32
      %dma_start3A_46 = tpu.memref_slice %arg3[%add3A, %dma_start3A_44, %dma_start3A_45] : memref<32x79x128xi32, #tpu.memory_space<hbm>> -> memref<1x79x128xi32, #tpu.memory_space<hbm>>
      %dma_start3A_47 = tpu.memref_squeeze %dma_start3A_46 : memref<1x79x128xi32, #tpu.memory_space<hbm>> -> memref<79x128xi32, #tpu.memory_space<hbm>>
      tpu.enqueue_dma source(%dma_start3A_47 : memref<79x128xi32, #tpu.memory_space<hbm>>) target(%arg8 : memref<79x128xi32, #tpu.memory_space<vmem>>) target_semaphore(%run_scoped3A : memref<!tpu.dma_semaphore, #tpu.memory_space<semaphore_mem>>)
      %dma_wait3A = arith.constant 0 : i32
      %dma_wait3A_48 = arith.constant 0 : i32
      %dma_wait3A_49 = tpu.memref_slice %arg3[%add3A, %dma_wait3A, %dma_wait3A_48] : memref<32x79x128xi32, #tpu.memory_space<hbm>> -> memref<1x79x128xi32, #tpu.memory_space<hbm>>
      %dma_wait3A_50 = tpu.memref_squeeze %dma_wait3A_49 : memref<1x79x128xi32, #tpu.memory_space<hbm>> -> memref<79x128xi32, #tpu.memory_space<hbm>>
      %dma_wait3A_51 = arith.constant 0 : i32
      %dma_wait3A_52 = arith.constant 0 : i32
      %dma_wait3A_53 = tpu.memref_slice %arg3[%add3A, %dma_wait3A_51, %dma_wait3A_52] : memref<32x79x128xi32, #tpu.memory_space<hbm>> -> memref<1x79x128xi32, #tpu.memory_space<hbm>>
      %dma_wait3A_54 = tpu.memref_squeeze %dma_wait3A_53 : memref<1x79x128xi32, #tpu.memory_space<hbm>> -> memref<79x128xi32, #tpu.memory_space<hbm>>
      tpu.wait_dma2 semaphore(%run_scoped3A : memref<!tpu.dma_semaphore, #tpu.memory_space<semaphore_mem>>) src(%dma_wait3A_54 : memref<79x128xi32, #tpu.memory_space<hbm>>) dst(%arg8 : memref<79x128xi32, #tpu.memory_space<vmem>>)
      tpu.yield
    }) : () -> ()
    %dma_start3A = arith.constant 0 : i32
    %dma_start3A_1 = arith.constant 0 : i32
    %dma_start3A_2 = arith.constant 0 : i32
    %dma_start3A_3 = arith.constant 0 : i32
    %dma_start3A_4 = tpu.memref_slice %arg10[%dma_start3A_1, %dma_start3A_2, %dma_start3A_3] : memref<2x128x128xf32, #tpu.memory_space<vmem>> -> memref<1x128x128xf32, #tpu.memory_space<vmem>>
    %dma_start3A_5 = tpu.memref_squeeze %dma_start3A_4 : memref<1x128x128xf32, #tpu.memory_space<vmem>> -> memref<128x128xf32, #tpu.memory_space<vmem>>
    %dma_start3A_6 = arith.constant 0 : i32
    %dma_start3A_7 = tpu.memref_slice %arg8[%dma_start3A, %dma_start3A_6] : memref<79x128xi32, #tpu.memory_space<vmem>> -> memref<1x128xi32, #tpu.memory_space<vmem>>
    %dma_start3A_8 = tpu.memref_squeeze %dma_start3A_7 : memref<1x128xi32, #tpu.memory_space<vmem>> -> memref<128xi32, #tpu.memory_space<vmem>>
    %dma_start3A_9 = arith.constant 0 : i32
    %dma_start3A_10 = arith.constant 0 : i32
    %dma_start3A_11 = tpu.memref_slice %arg2[%dma_start3A_9, %dma_start3A_10] : memref<10000x128xf32, #tpu.memory_space<hbm>> -> memref<10000x128xf32, #tpu.memory_space<hbm>>
    tpu.enqueue_indirect_dma source(%dma_start3A_11 : memref<10000x128xf32, #tpu.memory_space<hbm>>) target(%dma_start3A_5 : memref<128x128xf32, #tpu.memory_space<vmem>>) offsets(%dma_start3A_8 : memref<128xi32, #tpu.memory_space<vmem>>) semaphore(%arg11 : memref<!tpu.dma_semaphore, #tpu.memory_space<semaphore_mem>>)
    %dma_start3A_12 = arith.constant 0 : i32
    %dma_start3A_13 = arith.constant 0 : i32
    %dma_start3A_14 = arith.constant 0 : i32
    %dma_start3A_15 = tpu.memref_slice %arg9[%dma_start3A_13, %dma_start3A_14] : memref<2x128xi32, #tpu.memory_space<vmem>> -> memref<1x128xi32, #tpu.memory_space<vmem>>
    %dma_start3A_16 = tpu.memref_squeeze %dma_start3A_15 : memref<1x128xi32, #tpu.memory_space<vmem>> -> memref<128xi32, #tpu.memory_space<vmem>>
    %dma_start3A_17 = arith.constant 0 : i32
    %dma_start3A_18 = tpu.memref_slice %arg4[%add3A, %dma_start3A_12, %dma_start3A_17] : memref<32x79x128xi32, #tpu.memory_space<hbm>> -> memref<1x1x128xi32, #tpu.memory_space<hbm>>
    %dma_start3A_19 = tpu.memref_squeeze %dma_start3A_18 : memref<1x1x128xi32, #tpu.memory_space<hbm>> -> memref<128xi32, #tpu.memory_space<hbm>>
    %dma_start3A_20 = arith.constant 0 : i32
    %dma_start3A_21 = tpu.memref_slice %arg9[%dma_start3A_13, %dma_start3A_20] : memref<2x128xi32, #tpu.memory_space<vmem>> -> memref<1x128xi32, #tpu.memory_space<vmem>>
    %dma_start3A_22 = tpu.memref_squeeze %dma_start3A_21 : memref<1x128xi32, #tpu.memory_space<vmem>> -> memref<128xi32, #tpu.memory_space<vmem>>
    %dma_start3A_23 = arith.constant 0 : i32
    %dma_start3A_24 = tpu.memref_slice %arg4[%add3A, %dma_start3A_12, %dma_start3A_23] : memref<32x79x128xi32, #tpu.memory_space<hbm>> -> memref<1x1x128xi32, #tpu.memory_space<hbm>>
    %dma_start3A_25 = tpu.memref_squeeze %dma_start3A_24 : memref<1x1x128xi32, #tpu.memory_space<hbm>> -> memref<128xi32, #tpu.memory_space<hbm>>
    tpu.enqueue_dma source(%dma_start3A_25 : memref<128xi32, #tpu.memory_space<hbm>>) target(%dma_start3A_22 : memref<128xi32, #tpu.memory_space<vmem>>) target_semaphore(%arg12 : memref<!tpu.dma_semaphore, #tpu.memory_space<semaphore_mem>>)
    %mul3A_26 = arith.constant 640 : i32
    %mul3A_27 = arith.muli %arg1, %mul3A_26 : i32
    %mul3A_28 = arith.constant 640 : i32
    %mul3A_29 = arith.muli %arg1, %mul3A_28 : i32
    "tpu.region"() ({
      %run_scoped3A = tpu.sem_alloc : memref<!tpu.dma_semaphore, #tpu.memory_space<semaphore_mem>>
      %dma_start3A_40 = arith.constant 0 : i32
      %dma_start3A_41 = tpu.memref_slice %arg7[%mul3A_29, %dma_start3A_40] : memref<10240x128xf32, #tpu.memory_space<vmem_shared>> -> memref<640x128xf32, #tpu.memory_space<vmem_shared>>
      %dma_start3A_42 = arith.constant 0 : i32
      %dma_start3A_43 = tpu.memref_slice %arg5[%mul3A_27, %dma_start3A_42] : memref<10240x128xf32, #tpu.memory_space<hbm>> -> memref<640x128xf32, #tpu.memory_space<hbm>>
      tpu.enqueue_dma source(%dma_start3A_43 : memref<640x128xf32, #tpu.memory_space<hbm>>) target(%dma_start3A_41 : memref<640x128xf32, #tpu.memory_space<vmem_shared>>) target_semaphore(%run_scoped3A : memref<!tpu.dma_semaphore, #tpu.memory_space<semaphore_mem>>)
      %dma_wait3A = arith.constant 0 : i32
      %dma_wait3A_44 = tpu.memref_slice %arg7[%mul3A_29, %dma_wait3A] : memref<10240x128xf32, #tpu.memory_space<vmem_shared>> -> memref<640x128xf32, #tpu.memory_space<vmem_shared>>
      %dma_wait3A_45 = arith.constant 0 : i32
      %dma_wait3A_46 = tpu.memref_slice %arg5[%mul3A_27, %dma_wait3A_45] : memref<10240x128xf32, #tpu.memory_space<hbm>> -> memref<640x128xf32, #tpu.memory_space<hbm>>
      tpu.wait_dma2 semaphore(%run_scoped3A : memref<!tpu.dma_semaphore, #tpu.memory_space<semaphore_mem>>) src(%dma_wait3A_46 : memref<640x128xf32, #tpu.memory_space<hbm>>) dst(%dma_wait3A_44 : memref<640x128xf32, #tpu.memory_space<vmem_shared>>)
      tpu.yield
    }) : () -> ()
    %barrier3A = arith.constant 0 : index
    tpu.barrier barrier_id(%barrier3A)
    %scan3A = arith.constant 0 : i32
    %scan3A_30 = arith.constant 0 : i32
    %scan3A_31 = arith.constant 79 : i32
    %scan3A_32 = arith.addi %scan3A_30, %scan3A_31 : i32
    %scan3A_33 = arith.constant 1 : i32
    scf.for %scan3A_40 = %scan3A_30 to %scan3A_32 step %scan3A_33  : i32 {
      %rem3A = arith.constant 2 : i32
      %rem3A_41 = arith.remsi %scan3A_40, %rem3A : i32
      %dma_wait3A = arith.constant 0 : i32
      %dma_wait3A_42 = arith.constant 0 : i32
      %dma_wait3A_43 = tpu.memref_slice %arg10[%rem3A_41, %dma_wait3A, %dma_wait3A_42] : memref<2x128x128xf32, #tpu.memory_space<vmem>> -> memref<1x128x128xf32, #tpu.memory_space<vmem>>
      %dma_wait3A_44 = tpu.memref_squeeze %dma_wait3A_43 : memref<1x128x128xf32, #tpu.memory_space<vmem>> -> memref<128x128xf32, #tpu.memory_space<vmem>>
      %dma_wait3A_45 = arith.constant 0 : i32
      %dma_wait3A_46 = tpu.memref_slice %arg8[%scan3A_40, %dma_wait3A_45] : memref<79x128xi32, #tpu.memory_space<vmem>> -> memref<1x128xi32, #tpu.memory_space<vmem>>
      %dma_wait3A_47 = tpu.memref_squeeze %dma_wait3A_46 : memref<1x128xi32, #tpu.memory_space<vmem>> -> memref<128xi32, #tpu.memory_space<vmem>>
      %dma_wait3A_48 = arith.constant 0 : i32
      %dma_wait3A_49 = arith.constant 0 : i32
      %dma_wait3A_50 = tpu.memref_slice %arg2[%dma_wait3A_48, %dma_wait3A_49] : memref<10000x128xf32, #tpu.memory_space<hbm>> -> memref<10000x128xf32, #tpu.memory_space<hbm>>
      tpu.wait_indirect_dma semaphore(%arg11 : memref<!tpu.dma_semaphore, #tpu.memory_space<semaphore_mem>>) src(%dma_wait3A_50 : memref<10000x128xf32, #tpu.memory_space<hbm>>) dst(%dma_wait3A_44 : memref<128x128xf32, #tpu.memory_space<vmem>>)
      %dma_wait3A_51 = arith.constant 0 : i32
      %dma_wait3A_52 = tpu.memref_slice %arg9[%rem3A_41, %dma_wait3A_51] : memref<2x128xi32, #tpu.memory_space<vmem>> -> memref<1x128xi32, #tpu.memory_space<vmem>>
      %dma_wait3A_53 = tpu.memref_squeeze %dma_wait3A_52 : memref<1x128xi32, #tpu.memory_space<vmem>> -> memref<128xi32, #tpu.memory_space<vmem>>
      %dma_wait3A_54 = arith.constant 0 : i32
      %dma_wait3A_55 = tpu.memref_slice %arg4[%add3A, %scan3A_40, %dma_wait3A_54] : memref<32x79x128xi32, #tpu.memory_space<hbm>> -> memref<1x1x128xi32, #tpu.memory_space<hbm>>
      %dma_wait3A_56 = tpu.memref_squeeze %dma_wait3A_55 : memref<1x1x128xi32, #tpu.memory_space<hbm>> -> memref<128xi32, #tpu.memory_space<hbm>>
      %dma_wait3A_57 = arith.constant 0 : i32
      %dma_wait3A_58 = tpu.memref_slice %arg9[%rem3A_41, %dma_wait3A_57] : memref<2x128xi32, #tpu.memory_space<vmem>> -> memref<1x128xi32, #tpu.memory_space<vmem>>
      %dma_wait3A_59 = tpu.memref_squeeze %dma_wait3A_58 : memref<1x128xi32, #tpu.memory_space<vmem>> -> memref<128xi32, #tpu.memory_space<vmem>>
      %dma_wait3A_60 = arith.constant 0 : i32
      %dma_wait3A_61 = tpu.memref_slice %arg4[%add3A, %scan3A_40, %dma_wait3A_60] : memref<32x79x128xi32, #tpu.memory_space<hbm>> -> memref<1x1x128xi32, #tpu.memory_space<hbm>>
      %dma_wait3A_62 = tpu.memref_squeeze %dma_wait3A_61 : memref<1x1x128xi32, #tpu.memory_space<hbm>> -> memref<128xi32, #tpu.memory_space<hbm>>
      tpu.wait_dma2 semaphore(%arg12 : memref<!tpu.dma_semaphore, #tpu.memory_space<semaphore_mem>>) src(%dma_wait3A_62 : memref<128xi32, #tpu.memory_space<hbm>>) dst(%dma_wait3A_59 : memref<128xi32, #tpu.memory_space<vmem>>)
      %add3A_63 = arith.constant 1 : i32
      %add3A_64 = arith.addi %scan3A_40, %add3A_63 : i32
      %lt3A = arith.constant 79 : i32
      %lt3A_65 = arith.cmpi slt, %add3A_64, %lt3A : i32
      %convert_element_type3A = arith.extui %lt3A_65 : i1 to i32
      %cond3A = arith.constant 0 : i32
      %cond3A_66 = arith.cmpi ne, %convert_element_type3A, %cond3A : i32
      scf.if %cond3A_66 {
        %add3A_67 = arith.constant 1 : i32
        %add3A_68 = arith.addi %scan3A_40, %add3A_67 : i32
        %sub3A = arith.constant 1 : i32
        %sub3A_69 = arith.subi %sub3A, %rem3A_41 : i32
        %dma_start3A_70 = arith.constant 0 : i32
        %dma_start3A_71 = arith.constant 0 : i32
        %dma_start3A_72 = tpu.memref_slice %arg10[%sub3A_69, %dma_start3A_70, %dma_start3A_71] : memref<2x128x128xf32, #tpu.memory_space<vmem>> -> memref<1x128x128xf32, #tpu.memory_space<vmem>>
        %dma_start3A_73 = tpu.memref_squeeze %dma_start3A_72 : memref<1x128x128xf32, #tpu.memory_space<vmem>> -> memref<128x128xf32, #tpu.memory_space<vmem>>
        %dma_start3A_74 = arith.constant 0 : i32
        %dma_start3A_75 = tpu.memref_slice %arg8[%add3A_68, %dma_start3A_74] : memref<79x128xi32, #tpu.memory_space<vmem>> -> memref<1x128xi32, #tpu.memory_space<vmem>>
        %dma_start3A_76 = tpu.memref_squeeze %dma_start3A_75 : memref<1x128xi32, #tpu.memory_space<vmem>> -> memref<128xi32, #tpu.memory_space<vmem>>
        %dma_start3A_77 = arith.constant 0 : i32
        %dma_start3A_78 = arith.constant 0 : i32
        %dma_start3A_79 = tpu.memref_slice %arg2[%dma_start3A_77, %dma_start3A_78] : memref<10000x128xf32, #tpu.memory_space<hbm>> -> memref<10000x128xf32, #tpu.memory_space<hbm>>
        tpu.enqueue_indirect_dma source(%dma_start3A_79 : memref<10000x128xf32, #tpu.memory_space<hbm>>) target(%dma_start3A_73 : memref<128x128xf32, #tpu.memory_space<vmem>>) offsets(%dma_start3A_76 : memref<128xi32, #tpu.memory_space<vmem>>) semaphore(%arg11 : memref<!tpu.dma_semaphore, #tpu.memory_space<semaphore_mem>>)
        %add3A_80 = arith.constant 1 : i32
        %add3A_81 = arith.addi %scan3A_40, %add3A_80 : i32
        %sub3A_82 = arith.constant 1 : i32
        %sub3A_83 = arith.subi %sub3A_82, %rem3A_41 : i32
        %dma_start3A_84 = arith.constant 0 : i32
        %dma_start3A_85 = tpu.memref_slice %arg9[%sub3A_83, %dma_start3A_84] : memref<2x128xi32, #tpu.memory_space<vmem>> -> memref<1x128xi32, #tpu.memory_space<vmem>>
        %dma_start3A_86 = tpu.memref_squeeze %dma_start3A_85 : memref<1x128xi32, #tpu.memory_space<vmem>> -> memref<128xi32, #tpu.memory_space<vmem>>
        %dma_start3A_87 = arith.constant 0 : i32
        %dma_start3A_88 = tpu.memref_slice %arg4[%add3A, %add3A_81, %dma_start3A_87] : memref<32x79x128xi32, #tpu.memory_space<hbm>> -> memref<1x1x128xi32, #tpu.memory_space<hbm>>
        %dma_start3A_89 = tpu.memref_squeeze %dma_start3A_88 : memref<1x1x128xi32, #tpu.memory_space<hbm>> -> memref<128xi32, #tpu.memory_space<hbm>>
        %dma_start3A_90 = arith.constant 0 : i32
        %dma_start3A_91 = tpu.memref_slice %arg9[%sub3A_83, %dma_start3A_90] : memref<2x128xi32, #tpu.memory_space<vmem>> -> memref<1x128xi32, #tpu.memory_space<vmem>>
        %dma_start3A_92 = tpu.memref_squeeze %dma_start3A_91 : memref<1x128xi32, #tpu.memory_space<vmem>> -> memref<128xi32, #tpu.memory_space<vmem>>
        %dma_start3A_93 = arith.constant 0 : i32
        %dma_start3A_94 = tpu.memref_slice %arg4[%add3A, %add3A_81, %dma_start3A_93] : memref<32x79x128xi32, #tpu.memory_space<hbm>> -> memref<1x1x128xi32, #tpu.memory_space<hbm>>
        %dma_start3A_95 = tpu.memref_squeeze %dma_start3A_94 : memref<1x1x128xi32, #tpu.memory_space<hbm>> -> memref<128xi32, #tpu.memory_space<hbm>>
        tpu.enqueue_dma source(%dma_start3A_95 : memref<128xi32, #tpu.memory_space<hbm>>) target(%dma_start3A_92 : memref<128xi32, #tpu.memory_space<vmem>>) target_semaphore(%arg12 : memref<!tpu.dma_semaphore, #tpu.memory_space<semaphore_mem>>)
      } else {
      }
      "tpu.region"() ({
        %run_scoped3A = tpu.sem_alloc : memref<!tpu.dma_semaphore, #tpu.memory_space<semaphore_mem>>
        %dma_start3A_67 = arith.constant 0 : i32
        %dma_start3A_68 = arith.constant 0 : i32
        %dma_start3A_69 = tpu.memref_slice %arg10[%rem3A_41, %dma_start3A_67, %dma_start3A_68] : memref<2x128x128xf32, #tpu.memory_space<vmem>> -> memref<1x128x128xf32, #tpu.memory_space<vmem>>
        %dma_start3A_70 = tpu.memref_squeeze %dma_start3A_69 : memref<1x128x128xf32, #tpu.memory_space<vmem>> -> memref<128x128xf32, #tpu.memory_space<vmem>>
        %dma_start3A_71 = arith.constant 0 : i32
        %dma_start3A_72 = tpu.memref_slice %arg9[%rem3A_41, %dma_start3A_71] : memref<2x128xi32, #tpu.memory_space<vmem>> -> memref<1x128xi32, #tpu.memory_space<vmem>>
        %dma_start3A_73 = tpu.memref_squeeze %dma_start3A_72 : memref<1x128xi32, #tpu.memory_space<vmem>> -> memref<128xi32, #tpu.memory_space<vmem>>
        %dma_start3A_74 = arith.constant 0 : i32
        %dma_start3A_75 = arith.constant 0 : i32
        %dma_start3A_76 = tpu.memref_slice %arg7[%dma_start3A_74, %dma_start3A_75] : memref<10240x128xf32, #tpu.memory_space<vmem_shared>> -> memref<10240x128xf32, #tpu.memory_space<vmem_shared>>
        tpu.enqueue_indirect_dma source(%dma_start3A_70 : memref<128x128xf32, #tpu.memory_space<vmem>>) target(%dma_start3A_76 : memref<10240x128xf32, #tpu.memory_space<vmem_shared>>) offsets(%dma_start3A_73 : memref<128xi32, #tpu.memory_space<vmem>>) semaphore(%run_scoped3A : memref<!tpu.dma_semaphore, #tpu.memory_space<semaphore_mem>>) {add = true}
        %dma_wait3A_77 = arith.constant 0 : i32
        %dma_wait3A_78 = arith.constant 0 : i32
        %dma_wait3A_79 = tpu.memref_slice %arg10[%rem3A_41, %dma_wait3A_77, %dma_wait3A_78] : memref<2x128x128xf32, #tpu.memory_space<vmem>> -> memref<1x128x128xf32, #tpu.memory_space<vmem>>
        %dma_wait3A_80 = tpu.memref_squeeze %dma_wait3A_79 : memref<1x128x128xf32, #tpu.memory_space<vmem>> -> memref<128x128xf32, #tpu.memory_space<vmem>>
        %dma_wait3A_81 = arith.constant 0 : i32
        %dma_wait3A_82 = tpu.memref_slice %arg9[%rem3A_41, %dma_wait3A_81] : memref<2x128xi32, #tpu.memory_space<vmem>> -> memref<1x128xi32, #tpu.memory_space<vmem>>
        %dma_wait3A_83 = tpu.memref_squeeze %dma_wait3A_82 : memref<1x128xi32, #tpu.memory_space<vmem>> -> memref<128xi32, #tpu.memory_space<vmem>>
        %dma_wait3A_84 = arith.constant 0 : i32
        %dma_wait3A_85 = arith.constant 0 : i32
        %dma_wait3A_86 = tpu.memref_slice %arg7[%dma_wait3A_84, %dma_wait3A_85] : memref<10240x128xf32, #tpu.memory_space<vmem_shared>> -> memref<10240x128xf32, #tpu.memory_space<vmem_shared>>
        tpu.wait_indirect_dma semaphore(%run_scoped3A : memref<!tpu.dma_semaphore, #tpu.memory_space<semaphore_mem>>) src(%dma_wait3A_80 : memref<128x128xf32, #tpu.memory_space<vmem>>) dst(%dma_wait3A_86 : memref<10240x128xf32, #tpu.memory_space<vmem_shared>>)
        tpu.yield
      }) : () -> ()
    }
    %scan3A_34 = arith.constant 79 : i32
    %barrier3A_35 = arith.constant 0 : index
    tpu.barrier barrier_id(%barrier3A_35)
    %mul3A_36 = arith.constant 640 : i32
    %mul3A_37 = arith.muli %arg1, %mul3A_36 : i32
    %mul3A_38 = arith.constant 640 : i32
    %mul3A_39 = arith.muli %arg1, %mul3A_38 : i32
    "tpu.region"() ({
      %run_scoped3A = tpu.sem_alloc : memref<!tpu.dma_semaphore, #tpu.memory_space<semaphore_mem>>
      %dma_start3A_40 = arith.constant 0 : i32
      %dma_start3A_41 = tpu.memref_slice %arg6[%arg0, %mul3A_39, %dma_start3A_40] : memref<2x10240x128xf32, #tpu.memory_space<hbm>> -> memref<1x640x128xf32, #tpu.memory_space<hbm>>
      %dma_start3A_42 = tpu.memref_squeeze %dma_start3A_41 : memref<1x640x128xf32, #tpu.memory_space<hbm>> -> memref<640x128xf32, #tpu.memory_space<hbm>>
      %dma_start3A_43 = arith.constant 0 : i32
      %dma_start3A_44 = tpu.memref_slice %arg7[%mul3A_37, %dma_start3A_43] : memref<10240x128xf32, #tpu.memory_space<vmem_shared>> -> memref<640x128xf32, #tpu.memory_space<vmem_shared>>
      tpu.enqueue_dma source(%dma_start3A_44 : memref<640x128xf32, #tpu.memory_space<vmem_shared>>) target(%dma_start3A_42 : memref<640x128xf32, #tpu.memory_space<hbm>>) target_semaphore(%run_scoped3A : memref<!tpu.dma_semaphore, #tpu.memory_space<semaphore_mem>>)
      %dma_wait3A = arith.constant 0 : i32
      %dma_wait3A_45 = tpu.memref_slice %arg6[%arg0, %mul3A_39, %dma_wait3A] : memref<2x10240x128xf32, #tpu.memory_space<hbm>> -> memref<1x640x128xf32, #tpu.memory_space<hbm>>
      %dma_wait3A_46 = tpu.memref_squeeze %dma_wait3A_45 : memref<1x640x128xf32, #tpu.memory_space<hbm>> -> memref<640x128xf32, #tpu.memory_space<hbm>>
      %dma_wait3A_47 = arith.constant 0 : i32
      %dma_wait3A_48 = tpu.memref_slice %arg7[%mul3A_37, %dma_wait3A_47] : memref<10240x128xf32, #tpu.memory_space<vmem_shared>> -> memref<640x128xf32, #tpu.memory_space<vmem_shared>>
      tpu.wait_dma2 semaphore(%run_scoped3A : memref<!tpu.dma_semaphore, #tpu.memory_space<semaphore_mem>>) src(%dma_wait3A_48 : memref<640x128xf32, #tpu.memory_space<vmem_shared>>) dst(%dma_wait3A_46 : memref<640x128xf32, #tpu.memory_space<hbm>>)
      tpu.yield
    }) : () -> ()
    return
  }
}

#map = affine_map<(d0, d1) -> (0, 0)>
#map1 = affine_map<(d0, d1) -> (0, 0, 0)>
module attributes {stable_mosaic.version = 14 : i64} {
  func.func @_msg_kernel(%arg0: i32, %arg1: i32, %arg2: memref<10000x128xf32, #tpu.memory_space<hbm>>, %arg3: memref<32x79x128xi32, #tpu.memory_space<hbm>>, %arg4: memref<32x79x128xi32, #tpu.memory_space<hbm>>, %arg5: memref<10240x128xf32, #tpu.memory_space<hbm>>, %arg6: memref<2x10240x128xf32, #tpu.memory_space<hbm>>, %arg7: memref<10240x128xf32, #tpu.memory_space<vmem_shared>>, %arg8: memref<79x128xi32, #tpu.memory_space<vmem>>, %arg9: memref<2x128xi32, #tpu.memory_space<vmem>>, %arg10: memref<2x128x128xf32, #tpu.memory_space<vmem>>, %arg11: memref<!tpu.dma_semaphore, #tpu.memory_space<semaphore_mem>>, %arg12: memref<!tpu.dma_semaphore, #tpu.memory_space<semaphore_mem>>) attributes {dimension_semantics = [#tpu.dimension_semantics<core_parallel>, #tpu.dimension_semantics<subcore_parallel>], iteration_bounds = array<i64: 2, 16>, scalar_prefetch = 0 : i64, scratch_operands = 6 : i64, tpu.core_type = #tpu.core_type<sc_vector_subcore>, window_params = [{transform_indices = #map}, {transform_indices = #map1}, {transform_indices = #map1}, {transform_indices = #map}, {transform_indices = #map1}]} {
    %mul3A = arith.constant 16 : i32
    %mul3A_0 = arith.muli %arg0, %mul3A : i32
    %add3A = arith.addi %mul3A_0, %arg1 : i32
    "tpu.region"() ({
      %run_scoped3A = tpu.sem_alloc : memref<!tpu.dma_semaphore, #tpu.memory_space<semaphore_mem>>
      %dma_start3A_40 = arith.constant 0 : i32
      %dma_start3A_41 = arith.constant 0 : i32
      %dma_start3A_42 = tpu.memref_slice %arg3[%add3A, %dma_start3A_40, %dma_start3A_41] : memref<32x79x128xi32, #tpu.memory_space<hbm>> -> memref<1x79x128xi32, #tpu.memory_space<hbm>>
      %dma_start3A_43 = tpu.memref_squeeze %dma_start3A_42 : memref<1x79x128xi32, #tpu.memory_space<hbm>> -> memref<79x128xi32, #tpu.memory_space<hbm>>
      %dma_start3A_44 = arith.constant 0 : i32
      %dma_start3A_45 = arith.constant 0 : i32
      %dma_start3A_46 = tpu.memref_slice %arg3[%add3A, %dma_start3A_44, %dma_start3A_45] : memref<32x79x128xi32, #tpu.memory_space<hbm>> -> memref<1x79x128xi32, #tpu.memory_space<hbm>>
      %dma_start3A_47 = tpu.memref_squeeze %dma_start3A_46 : memref<1x79x128xi32, #tpu.memory_space<hbm>> -> memref<79x128xi32, #tpu.memory_space<hbm>>
      tpu.enqueue_dma source(%dma_start3A_47 : memref<79x128xi32, #tpu.memory_space<hbm>>) target(%arg8 : memref<79x128xi32, #tpu.memory_space<vmem>>) target_semaphore(%run_scoped3A : memref<!tpu.dma_semaphore, #tpu.memory_space<semaphore_mem>>)
      %dma_wait3A = arith.constant 0 : i32
      %dma_wait3A_48 = arith.constant 0 : i32
      %dma_wait3A_49 = tpu.memref_slice %arg3[%add3A, %dma_wait3A, %dma_wait3A_48] : memref<32x79x128xi32, #tpu.memory_space<hbm>> -> memref<1x79x128xi32, #tpu.memory_space<hbm>>
      %dma_wait3A_50 = tpu.memref_squeeze %dma_wait3A_49 : memref<1x79x128xi32, #tpu.memory_space<hbm>> -> memref<79x128xi32, #tpu.memory_space<hbm>>
      %dma_wait3A_51 = arith.constant 0 : i32
      %dma_wait3A_52 = arith.constant 0 : i32
      %dma_wait3A_53 = tpu.memref_slice %arg3[%add3A, %dma_wait3A_51, %dma_wait3A_52] : memref<32x79x128xi32, #tpu.memory_space<hbm>> -> memref<1x79x128xi32, #tpu.memory_space<hbm>>
      %dma_wait3A_54 = tpu.memref_squeeze %dma_wait3A_53 : memref<1x79x128xi32, #tpu.memory_space<hbm>> -> memref<79x128xi32, #tpu.memory_space<hbm>>
      tpu.wait_dma2 semaphore(%run_scoped3A : memref<!tpu.dma_semaphore, #tpu.memory_space<semaphore_mem>>) src(%dma_wait3A_54 : memref<79x128xi32, #tpu.memory_space<hbm>>) dst(%arg8 : memref<79x128xi32, #tpu.memory_space<vmem>>)
      tpu.yield
    }) : () -> ()
    %dma_start3A = arith.constant 0 : i32
    %dma_start3A_1 = arith.constant 0 : i32
    %dma_start3A_2 = arith.constant 0 : i32
    %dma_start3A_3 = arith.constant 0 : i32
    %dma_start3A_4 = tpu.memref_slice %arg10[%dma_start3A_1, %dma_start3A_2, %dma_start3A_3] : memref<2x128x128xf32, #tpu.memory_space<vmem>> -> memref<1x128x128xf32, #tpu.memory_space<vmem>>
    %dma_start3A_5 = tpu.memref_squeeze %dma_start3A_4 : memref<1x128x128xf32, #tpu.memory_space<vmem>> -> memref<128x128xf32, #tpu.memory_space<vmem>>
    %dma_start3A_6 = arith.constant 0 : i32
    %dma_start3A_7 = tpu.memref_slice %arg8[%dma_start3A, %dma_start3A_6] : memref<79x128xi32, #tpu.memory_space<vmem>> -> memref<1x128xi32, #tpu.memory_space<vmem>>
    %dma_start3A_8 = tpu.memref_squeeze %dma_start3A_7 : memref<1x128xi32, #tpu.memory_space<vmem>> -> memref<128xi32, #tpu.memory_space<vmem>>
    %dma_start3A_9 = arith.constant 0 : i32
    %dma_start3A_10 = arith.constant 0 : i32
    %dma_start3A_11 = tpu.memref_slice %arg2[%dma_start3A_9, %dma_start3A_10] : memref<10000x128xf32, #tpu.memory_space<hbm>> -> memref<10000x128xf32, #tpu.memory_space<hbm>>
    tpu.enqueue_indirect_dma source(%dma_start3A_11 : memref<10000x128xf32, #tpu.memory_space<hbm>>) target(%dma_start3A_5 : memref<128x128xf32, #tpu.memory_space<vmem>>) offsets(%dma_start3A_8 : memref<128xi32, #tpu.memory_space<vmem>>) semaphore(%arg11 : memref<!tpu.dma_semaphore, #tpu.memory_space<semaphore_mem>>)
    %dma_start3A_12 = arith.constant 0 : i32
    %dma_start3A_13 = arith.constant 0 : i32
    %dma_start3A_14 = arith.constant 0 : i32
    %dma_start3A_15 = tpu.memref_slice %arg9[%dma_start3A_13, %dma_start3A_14] : memref<2x128xi32, #tpu.memory_space<vmem>> -> memref<1x128xi32, #tpu.memory_space<vmem>>
    %dma_start3A_16 = tpu.memref_squeeze %dma_start3A_15 : memref<1x128xi32, #tpu.memory_space<vmem>> -> memref<128xi32, #tpu.memory_space<vmem>>
    %dma_start3A_17 = arith.constant 0 : i32
    %dma_start3A_18 = tpu.memref_slice %arg4[%add3A, %dma_start3A_12, %dma_start3A_17] : memref<32x79x128xi32, #tpu.memory_space<hbm>> -> memref<1x1x128xi32, #tpu.memory_space<hbm>>
    %dma_start3A_19 = tpu.memref_squeeze %dma_start3A_18 : memref<1x1x128xi32, #tpu.memory_space<hbm>> -> memref<128xi32, #tpu.memory_space<hbm>>
    %dma_start3A_20 = arith.constant 0 : i32
    %dma_start3A_21 = tpu.memref_slice %arg9[%dma_start3A_13, %dma_start3A_20] : memref<2x128xi32, #tpu.memory_space<vmem>> -> memref<1x128xi32, #tpu.memory_space<vmem>>
    %dma_start3A_22 = tpu.memref_squeeze %dma_start3A_21 : memref<1x128xi32, #tpu.memory_space<vmem>> -> memref<128xi32, #tpu.memory_space<vmem>>
    %dma_start3A_23 = arith.constant 0 : i32
    %dma_start3A_24 = tpu.memref_slice %arg4[%add3A, %dma_start3A_12, %dma_start3A_23] : memref<32x79x128xi32, #tpu.memory_space<hbm>> -> memref<1x1x128xi32, #tpu.memory_space<hbm>>
    %dma_start3A_25 = tpu.memref_squeeze %dma_start3A_24 : memref<1x1x128xi32, #tpu.memory_space<hbm>> -> memref<128xi32, #tpu.memory_space<hbm>>
    tpu.enqueue_dma source(%dma_start3A_25 : memref<128xi32, #tpu.memory_space<hbm>>) target(%dma_start3A_22 : memref<128xi32, #tpu.memory_space<vmem>>) target_semaphore(%arg12 : memref<!tpu.dma_semaphore, #tpu.memory_space<semaphore_mem>>)
    %mul3A_26 = arith.constant 640 : i32
    %mul3A_27 = arith.muli %arg1, %mul3A_26 : i32
    %mul3A_28 = arith.constant 640 : i32
    %mul3A_29 = arith.muli %arg1, %mul3A_28 : i32
    "tpu.region"() ({
      %run_scoped3A = tpu.sem_alloc : memref<!tpu.dma_semaphore, #tpu.memory_space<semaphore_mem>>
      %dma_start3A_40 = arith.constant 0 : i32
      %dma_start3A_41 = tpu.memref_slice %arg7[%mul3A_29, %dma_start3A_40] : memref<10240x128xf32, #tpu.memory_space<vmem_shared>> -> memref<640x128xf32, #tpu.memory_space<vmem_shared>>
      %dma_start3A_42 = arith.constant 0 : i32
      %dma_start3A_43 = tpu.memref_slice %arg5[%mul3A_27, %dma_start3A_42] : memref<10240x128xf32, #tpu.memory_space<hbm>> -> memref<640x128xf32, #tpu.memory_space<hbm>>
      tpu.enqueue_dma source(%dma_start3A_43 : memref<640x128xf32, #tpu.memory_space<hbm>>) target(%dma_start3A_41 : memref<640x128xf32, #tpu.memory_space<vmem_shared>>) target_semaphore(%run_scoped3A : memref<!tpu.dma_semaphore, #tpu.memory_space<semaphore_mem>>)
      %dma_wait3A = arith.constant 0 : i32
      %dma_wait3A_44 = tpu.memref_slice %arg7[%mul3A_29, %dma_wait3A] : memref<10240x128xf32, #tpu.memory_space<vmem_shared>> -> memref<640x128xf32, #tpu.memory_space<vmem_shared>>
      %dma_wait3A_45 = arith.constant 0 : i32
      %dma_wait3A_46 = tpu.memref_slice %arg5[%mul3A_27, %dma_wait3A_45] : memref<10240x128xf32, #tpu.memory_space<hbm>> -> memref<640x128xf32, #tpu.memory_space<hbm>>
      tpu.wait_dma2 semaphore(%run_scoped3A : memref<!tpu.dma_semaphore, #tpu.memory_space<semaphore_mem>>) src(%dma_wait3A_46 : memref<640x128xf32, #tpu.memory_space<hbm>>) dst(%dma_wait3A_44 : memref<640x128xf32, #tpu.memory_space<vmem_shared>>)
      tpu.yield
    }) : () -> ()
    %barrier3A = arith.constant 0 : index
    tpu.barrier barrier_id(%barrier3A)
    %scan3A = arith.constant 0 : i32
    %scan3A_30 = arith.constant 0 : i32
    %scan3A_31 = arith.constant 79 : i32
    %scan3A_32 = arith.addi %scan3A_30, %scan3A_31 : i32
    %scan3A_33 = arith.constant 1 : i32
    scf.for %scan3A_40 = %scan3A_30 to %scan3A_32 step %scan3A_33  : i32 {
      %rem3A = arith.constant 2 : i32
      %rem3A_41 = arith.remsi %scan3A_40, %rem3A : i32
      %dma_wait3A = arith.constant 0 : i32
      %dma_wait3A_42 = arith.constant 0 : i32
      %dma_wait3A_43 = tpu.memref_slice %arg10[%rem3A_41, %dma_wait3A, %dma_wait3A_42] : memref<2x128x128xf32, #tpu.memory_space<vmem>> -> memref<1x128x128xf32, #tpu.memory_space<vmem>>
      %dma_wait3A_44 = tpu.memref_squeeze %dma_wait3A_43 : memref<1x128x128xf32, #tpu.memory_space<vmem>> -> memref<128x128xf32, #tpu.memory_space<vmem>>
      %dma_wait3A_45 = arith.constant 0 : i32
      %dma_wait3A_46 = tpu.memref_slice %arg8[%scan3A_40, %dma_wait3A_45] : memref<79x128xi32, #tpu.memory_space<vmem>> -> memref<1x128xi32, #tpu.memory_space<vmem>>
      %dma_wait3A_47 = tpu.memref_squeeze %dma_wait3A_46 : memref<1x128xi32, #tpu.memory_space<vmem>> -> memref<128xi32, #tpu.memory_space<vmem>>
      %dma_wait3A_48 = arith.constant 0 : i32
      %dma_wait3A_49 = arith.constant 0 : i32
      %dma_wait3A_50 = tpu.memref_slice %arg2[%dma_wait3A_48, %dma_wait3A_49] : memref<10000x128xf32, #tpu.memory_space<hbm>> -> memref<10000x128xf32, #tpu.memory_space<hbm>>
      tpu.wait_indirect_dma semaphore(%arg11 : memref<!tpu.dma_semaphore, #tpu.memory_space<semaphore_mem>>) src(%dma_wait3A_50 : memref<10000x128xf32, #tpu.memory_space<hbm>>) dst(%dma_wait3A_44 : memref<128x128xf32, #tpu.memory_space<vmem>>)
      %dma_wait3A_51 = arith.constant 0 : i32
      %dma_wait3A_52 = tpu.memref_slice %arg9[%rem3A_41, %dma_wait3A_51] : memref<2x128xi32, #tpu.memory_space<vmem>> -> memref<1x128xi32, #tpu.memory_space<vmem>>
      %dma_wait3A_53 = tpu.memref_squeeze %dma_wait3A_52 : memref<1x128xi32, #tpu.memory_space<vmem>> -> memref<128xi32, #tpu.memory_space<vmem>>
      %dma_wait3A_54 = arith.constant 0 : i32
      %dma_wait3A_55 = tpu.memref_slice %arg4[%add3A, %scan3A_40, %dma_wait3A_54] : memref<32x79x128xi32, #tpu.memory_space<hbm>> -> memref<1x1x128xi32, #tpu.memory_space<hbm>>
      %dma_wait3A_56 = tpu.memref_squeeze %dma_wait3A_55 : memref<1x1x128xi32, #tpu.memory_space<hbm>> -> memref<128xi32, #tpu.memory_space<hbm>>
      %dma_wait3A_57 = arith.constant 0 : i32
      %dma_wait3A_58 = tpu.memref_slice %arg9[%rem3A_41, %dma_wait3A_57] : memref<2x128xi32, #tpu.memory_space<vmem>> -> memref<1x128xi32, #tpu.memory_space<vmem>>
      %dma_wait3A_59 = tpu.memref_squeeze %dma_wait3A_58 : memref<1x128xi32, #tpu.memory_space<vmem>> -> memref<128xi32, #tpu.memory_space<vmem>>
      %dma_wait3A_60 = arith.constant 0 : i32
      %dma_wait3A_61 = tpu.memref_slice %arg4[%add3A, %scan3A_40, %dma_wait3A_60] : memref<32x79x128xi32, #tpu.memory_space<hbm>> -> memref<1x1x128xi32, #tpu.memory_space<hbm>>
      %dma_wait3A_62 = tpu.memref_squeeze %dma_wait3A_61 : memref<1x1x128xi32, #tpu.memory_space<hbm>> -> memref<128xi32, #tpu.memory_space<hbm>>
      tpu.wait_dma2 semaphore(%arg12 : memref<!tpu.dma_semaphore, #tpu.memory_space<semaphore_mem>>) src(%dma_wait3A_62 : memref<128xi32, #tpu.memory_space<hbm>>) dst(%dma_wait3A_59 : memref<128xi32, #tpu.memory_space<vmem>>)
      %add3A_63 = arith.constant 1 : i32
      %add3A_64 = arith.addi %scan3A_40, %add3A_63 : i32
      %lt3A = arith.constant 79 : i32
      %lt3A_65 = arith.cmpi slt, %add3A_64, %lt3A : i32
      %convert_element_type3A = arith.extui %lt3A_65 : i1 to i32
      %cond3A = arith.constant 0 : i32
      %cond3A_66 = arith.cmpi ne, %convert_element_type3A, %cond3A : i32
      scf.if %cond3A_66 {
        %add3A_67 = arith.constant 1 : i32
        %add3A_68 = arith.addi %scan3A_40, %add3A_67 : i32
        %sub3A = arith.constant 1 : i32
        %sub3A_69 = arith.subi %sub3A, %rem3A_41 : i32
        %dma_start3A_70 = arith.constant 0 : i32
        %dma_start3A_71 = arith.constant 0 : i32
        %dma_start3A_72 = tpu.memref_slice %arg10[%sub3A_69, %dma_start3A_70, %dma_start3A_71] : memref<2x128x128xf32, #tpu.memory_space<vmem>> -> memref<1x128x128xf32, #tpu.memory_space<vmem>>
        %dma_start3A_73 = tpu.memref_squeeze %dma_start3A_72 : memref<1x128x128xf32, #tpu.memory_space<vmem>> -> memref<128x128xf32, #tpu.memory_space<vmem>>
        %dma_start3A_74 = arith.constant 0 : i32
        %dma_start3A_75 = tpu.memref_slice %arg8[%add3A_68, %dma_start3A_74] : memref<79x128xi32, #tpu.memory_space<vmem>> -> memref<1x128xi32, #tpu.memory_space<vmem>>
        %dma_start3A_76 = tpu.memref_squeeze %dma_start3A_75 : memref<1x128xi32, #tpu.memory_space<vmem>> -> memref<128xi32, #tpu.memory_space<vmem>>
        %dma_start3A_77 = arith.constant 0 : i32
        %dma_start3A_78 = arith.constant 0 : i32
        %dma_start3A_79 = tpu.memref_slice %arg2[%dma_start3A_77, %dma_start3A_78] : memref<10000x128xf32, #tpu.memory_space<hbm>> -> memref<10000x128xf32, #tpu.memory_space<hbm>>
        tpu.enqueue_indirect_dma source(%dma_start3A_79 : memref<10000x128xf32, #tpu.memory_space<hbm>>) target(%dma_start3A_73 : memref<128x128xf32, #tpu.memory_space<vmem>>) offsets(%dma_start3A_76 : memref<128xi32, #tpu.memory_space<vmem>>) semaphore(%arg11 : memref<!tpu.dma_semaphore, #tpu.memory_space<semaphore_mem>>)
        %add3A_80 = arith.constant 1 : i32
        %add3A_81 = arith.addi %scan3A_40, %add3A_80 : i32
        %sub3A_82 = arith.constant 1 : i32
        %sub3A_83 = arith.subi %sub3A_82, %rem3A_41 : i32
        %dma_start3A_84 = arith.constant 0 : i32
        %dma_start3A_85 = tpu.memref_slice %arg9[%sub3A_83, %dma_start3A_84] : memref<2x128xi32, #tpu.memory_space<vmem>> -> memref<1x128xi32, #tpu.memory_space<vmem>>
        %dma_start3A_86 = tpu.memref_squeeze %dma_start3A_85 : memref<1x128xi32, #tpu.memory_space<vmem>> -> memref<128xi32, #tpu.memory_space<vmem>>
        %dma_start3A_87 = arith.constant 0 : i32
        %dma_start3A_88 = tpu.memref_slice %arg4[%add3A, %add3A_81, %dma_start3A_87] : memref<32x79x128xi32, #tpu.memory_space<hbm>> -> memref<1x1x128xi32, #tpu.memory_space<hbm>>
        %dma_start3A_89 = tpu.memref_squeeze %dma_start3A_88 : memref<1x1x128xi32, #tpu.memory_space<hbm>> -> memref<128xi32, #tpu.memory_space<hbm>>
        %dma_start3A_90 = arith.constant 0 : i32
        %dma_start3A_91 = tpu.memref_slice %arg9[%sub3A_83, %dma_start3A_90] : memref<2x128xi32, #tpu.memory_space<vmem>> -> memref<1x128xi32, #tpu.memory_space<vmem>>
        %dma_start3A_92 = tpu.memref_squeeze %dma_start3A_91 : memref<1x128xi32, #tpu.memory_space<vmem>> -> memref<128xi32, #tpu.memory_space<vmem>>
        %dma_start3A_93 = arith.constant 0 : i32
        %dma_start3A_94 = tpu.memref_slice %arg4[%add3A, %add3A_81, %dma_start3A_93] : memref<32x79x128xi32, #tpu.memory_space<hbm>> -> memref<1x1x128xi32, #tpu.memory_space<hbm>>
        %dma_start3A_95 = tpu.memref_squeeze %dma_start3A_94 : memref<1x1x128xi32, #tpu.memory_space<hbm>> -> memref<128xi32, #tpu.memory_space<hbm>>
        tpu.enqueue_dma source(%dma_start3A_95 : memref<128xi32, #tpu.memory_space<hbm>>) target(%dma_start3A_92 : memref<128xi32, #tpu.memory_space<vmem>>) target_semaphore(%arg12 : memref<!tpu.dma_semaphore, #tpu.memory_space<semaphore_mem>>)
      } else {
      }
      "tpu.region"() ({
        %run_scoped3A = tpu.sem_alloc : memref<!tpu.dma_semaphore, #tpu.memory_space<semaphore_mem>>
        %dma_start3A_67 = arith.constant 0 : i32
        %dma_start3A_68 = arith.constant 0 : i32
        %dma_start3A_69 = tpu.memref_slice %arg10[%rem3A_41, %dma_start3A_67, %dma_start3A_68] : memref<2x128x128xf32, #tpu.memory_space<vmem>> -> memref<1x128x128xf32, #tpu.memory_space<vmem>>
        %dma_start3A_70 = tpu.memref_squeeze %dma_start3A_69 : memref<1x128x128xf32, #tpu.memory_space<vmem>> -> memref<128x128xf32, #tpu.memory_space<vmem>>
        %dma_start3A_71 = arith.constant 0 : i32
        %dma_start3A_72 = tpu.memref_slice %arg9[%rem3A_41, %dma_start3A_71] : memref<2x128xi32, #tpu.memory_space<vmem>> -> memref<1x128xi32, #tpu.memory_space<vmem>>
        %dma_start3A_73 = tpu.memref_squeeze %dma_start3A_72 : memref<1x128xi32, #tpu.memory_space<vmem>> -> memref<128xi32, #tpu.memory_space<vmem>>
        %dma_start3A_74 = arith.constant 0 : i32
        %dma_start3A_75 = arith.constant 0 : i32
        %dma_start3A_76 = tpu.memref_slice %arg7[%dma_start3A_74, %dma_start3A_75] : memref<10240x128xf32, #tpu.memory_space<vmem_shared>> -> memref<10240x128xf32, #tpu.memory_space<vmem_shared>>
        tpu.enqueue_indirect_dma source(%dma_start3A_70 : memref<128x128xf32, #tpu.memory_space<vmem>>) target(%dma_start3A_76 : memref<10240x128xf32, #tpu.memory_space<vmem_shared>>) offsets(%dma_start3A_73 : memref<128xi32, #tpu.memory_space<vmem>>) semaphore(%run_scoped3A : memref<!tpu.dma_semaphore, #tpu.memory_space<semaphore_mem>>) {add = true}
        %dma_wait3A_77 = arith.constant 0 : i32
        %dma_wait3A_78 = arith.constant 0 : i32
        %dma_wait3A_79 = tpu.memref_slice %arg10[%rem3A_41, %dma_wait3A_77, %dma_wait3A_78] : memref<2x128x128xf32, #tpu.memory_space<vmem>> -> memref<1x128x128xf32, #tpu.memory_space<vmem>>
        %dma_wait3A_80 = tpu.memref_squeeze %dma_wait3A_79 : memref<1x128x128xf32, #tpu.memory_space<vmem>> -> memref<128x128xf32, #tpu.memory_space<vmem>>
        %dma_wait3A_81 = arith.constant 0 : i32
        %dma_wait3A_82 = tpu.memref_slice %arg9[%rem3A_41, %dma_wait3A_81] : memref<2x128xi32, #tpu.memory_space<vmem>> -> memref<1x128xi32, #tpu.memory_space<vmem>>
        %dma_wait3A_83 = tpu.memref_squeeze %dma_wait3A_82 : memref<1x128xi32, #tpu.memory_space<vmem>> -> memref<128xi32, #tpu.memory_space<vmem>>
        %dma_wait3A_84 = arith.constant 0 : i32
        %dma_wait3A_85 = arith.constant 0 : i32
        %dma_wait3A_86 = tpu.memref_slice %arg7[%dma_wait3A_84, %dma_wait3A_85] : memref<10240x128xf32, #tpu.memory_space<vmem_shared>> -> memref<10240x128xf32, #tpu.memory_space<vmem_shared>>
        tpu.wait_indirect_dma semaphore(%run_scoped3A : memref<!tpu.dma_semaphore, #tpu.memory_space<semaphore_mem>>) src(%dma_wait3A_80 : memref<128x128xf32, #tpu.memory_space<vmem>>) dst(%dma_wait3A_86 : memref<10240x128xf32, #tpu.memory_space<vmem_shared>>)
        tpu.yield
      }) : () -> ()
    }
    %scan3A_34 = arith.constant 79 : i32
    %barrier3A_35 = arith.constant 0 : index
    tpu.barrier barrier_id(%barrier3A_35)
    %mul3A_36 = arith.constant 640 : i32
    %mul3A_37 = arith.muli %arg1, %mul3A_36 : i32
    %mul3A_38 = arith.constant 640 : i32
    %mul3A_39 = arith.muli %arg1, %mul3A_38 : i32
    "tpu.region"() ({
      %run_scoped3A = tpu.sem_alloc : memref<!tpu.dma_semaphore, #tpu.memory_space<semaphore_mem>>
      %dma_start3A_40 = arith.constant 0 : i32
      %dma_start3A_41 = tpu.memref_slice %arg6[%arg0, %mul3A_39, %dma_start3A_40] : memref<2x10240x128xf32, #tpu.memory_space<hbm>> -> memref<1x640x128xf32, #tpu.memory_space<hbm>>
      %dma_start3A_42 = tpu.memref_squeeze %dma_start3A_41 : memref<1x640x128xf32, #tpu.memory_space<hbm>> -> memref<640x128xf32, #tpu.memory_space<hbm>>
      %dma_start3A_43 = arith.constant 0 : i32
      %dma_start3A_44 = tpu.memref_slice %arg7[%mul3A_37, %dma_start3A_43] : memref<10240x128xf32, #tpu.memory_space<vmem_shared>> -> memref<640x128xf32, #tpu.memory_space<vmem_shared>>
      tpu.enqueue_dma source(%dma_start3A_44 : memref<640x128xf32, #tpu.memory_space<vmem_shared>>) target(%dma_start3A_42 : memref<640x128xf32, #tpu.memory_space<hbm>>) target_semaphore(%run_scoped3A : memref<!tpu.dma_semaphore, #tpu.memory_space<semaphore_mem>>)
      %dma_wait3A = arith.constant 0 : i32
      %dma_wait3A_45 = tpu.memref_slice %arg6[%arg0, %mul3A_39, %dma_wait3A] : memref<2x10240x128xf32, #tpu.memory_space<hbm>> -> memref<1x640x128xf32, #tpu.memory_space<hbm>>
      %dma_wait3A_46 = tpu.memref_squeeze %dma_wait3A_45 : memref<1x640x128xf32, #tpu.memory_space<hbm>> -> memref<640x128xf32, #tpu.memory_space<hbm>>
      %dma_wait3A_47 = arith.constant 0 : i32
      %dma_wait3A_48 = tpu.memref_slice %arg7[%mul3A_37, %dma_wait3A_47] : memref<10240x128xf32, #tpu.memory_space<vmem_shared>> -> memref<640x128xf32, #tpu.memory_space<vmem_shared>>
      tpu.wait_dma2 semaphore(%run_scoped3A : memref<!tpu.dma_semaphore, #tpu.memory_space<semaphore_mem>>) src(%dma_wait3A_48 : memref<640x128xf32, #tpu.memory_space<vmem_shared>>) dst(%dma_wait3A_46 : memref<640x128xf32, #tpu.memory_space<hbm>>)
      tpu.yield
    }) : () -> ()
    return
  }
}

module attributes {stable_mosaic.version = 14 : i64} {
  func.func @_tc_mm_body(%arg0: i32, %arg1: memref<1000x128xf32, #tpu.memory_space<vmem>>, %arg2: memref<128x128xf32, #tpu.memory_space<vmem>>, %arg3: memref<1000x128xf32, #tpu.memory_space<vmem>>) attributes {dimension_semantics = [#tpu.dimension_semantics<arbitrary>], iteration_bounds = array<i64: 10>, scalar_prefetch = 0 : i64, scratch_operands = 0 : i64, tpu.core_type = #tpu.core_type<tc>, window_params = [{transform_indices = @transform_0, window_bounds = array<i64: 1000, 128>}, {pipeline_mode = #tpu.pipeline_mode<synchronous>, transform_indices = @transform_1, window_bounds = array<i64: 128, 128>}, {transform_indices = @transform_2, window_bounds = array<i64: 1000, 128>}]} {
    %get3A = arith.constant 0 : index
    %get3A_0 = arith.constant 0 : index
    %get3A_1 = vector.load %arg1[%get3A, %get3A_0] : memref<1000x128xf32, #tpu.memory_space<vmem>>, vector<1000x128xf32>
    %get3A_2 = arith.constant 0 : index
    %get3A_3 = arith.constant 0 : index
    %get3A_4 = vector.load %arg2[%get3A_2, %get3A_3] : memref<128x128xf32, #tpu.memory_space<vmem>>, vector<128x128xf32>
    %dot_general3A = arith.constant dense<0.000000e+00> : vector<1000x128xf32>
    %dot_general3A_5 = tpu.matmul %get3A_1, %get3A_4, %dot_general3A {dimension_numbers = #tpu.dot_dimension_numbers<[1], [0], [0], [1], [0, 0, 1, 1], [], []>, transpose_lhs_hint = false} : vector<1000x128xf32>, vector<128x128xf32>, vector<1000x128xf32> -> vector<1000x128xf32>
    %swap3A = arith.constant 0 : index
    %swap3A_6 = arith.constant 0 : index
    %swap3A_7 = vector.load %arg3[%swap3A, %swap3A_6] : memref<1000x128xf32, #tpu.memory_space<vmem>>, vector<1000x128xf32>
    tpu.vector_store %arg3[%swap3A, %swap3A_6], %dot_general3A_5 {strides = array<i32>} : memref<1000x128xf32, #tpu.memory_space<vmem>>, vector<1000x128xf32>,
    return
  }
  func.func @transform_0(%arg0: i32) -> (i32, i32) {
    %c0_i32 = arith.constant 0 : i32
    %c0_i32_0 = arith.constant 0 : i32
    return %arg0, %c0_i32 : i32, i32
  }
  func.func @transform_1(%arg0: i32) -> (i32, i32) {
    %c0_i32 = arith.constant 0 : i32
    %c0_i32_0 = arith.constant 0 : i32
    %c0_i32_1 = arith.constant 0 : i32
    return %c0_i32, %c0_i32_0 : i32, i32
  }
  func.func @transform_2(%arg0: i32) -> (i32, i32) {
    %c0_i32 = arith.constant 0 : i32
    %c0_i32_0 = arith.constant 0 : i32
    return %arg0, %c0_i32 : i32, i32
  }
}

module attributes {stable_mosaic.version = 14 : i64} {
  func.func @_tc_scale_body(%arg0: i32, %arg1: memref<1000x128xf32, #tpu.memory_space<vmem>>, %arg2: memref<1000x1xf32, #tpu.memory_space<vmem>>, %arg3: memref<1000x128xf32, #tpu.memory_space<vmem>>) attributes {dimension_semantics = [#tpu.dimension_semantics<arbitrary>], iteration_bounds = array<i64: 10>, scalar_prefetch = 0 : i64, scratch_operands = 0 : i64, tpu.core_type = #tpu.core_type<tc>, window_params = [{transform_indices = @transform_0, window_bounds = array<i64: 1000, 128>}, {transform_indices = @transform_1, window_bounds = array<i64: 1000, 1>}, {transform_indices = @transform_2, window_bounds = array<i64: 1000, 128>}]} {
    %get3A = arith.constant 0 : index
    %get3A_0 = arith.constant 0 : index
    %get3A_1 = vector.load %arg2[%get3A, %get3A_0] : memref<1000x1xf32, #tpu.memory_space<vmem>>, vector<1000x1xf32>
    %add3A = arith.constant 1.000000e+00 : f32
    %add3A_2 = vector.broadcast %add3A : f32 to vector<1000x1xf32>
    %add3A_3 = arith.addf %get3A_1, %add3A_2 : vector<1000x1xf32>
    %rsqrt3A = math.rsqrt %add3A_3 : vector<1000x1xf32>
    %get3A_4 = arith.constant 0 : index
    %get3A_5 = arith.constant 0 : index
    %get3A_6 = vector.load %arg1[%get3A_4, %get3A_5] : memref<1000x128xf32, #tpu.memory_space<vmem>>, vector<1000x128xf32>
    %mul3A = vector.broadcast %rsqrt3A : vector<1000x1xf32> to vector<1000x128xf32>
    %mul3A_7 = arith.mulf %mul3A, %get3A_6 : vector<1000x128xf32>
    %swap3A = arith.constant 0 : index
    %swap3A_8 = arith.constant 0 : index
    %swap3A_9 = vector.load %arg3[%swap3A, %swap3A_8] : memref<1000x128xf32, #tpu.memory_space<vmem>>, vector<1000x128xf32>
    tpu.vector_store %arg3[%swap3A, %swap3A_8], %mul3A_7 {strides = array<i32>} : memref<1000x128xf32, #tpu.memory_space<vmem>>, vector<1000x128xf32>,
    return
  }
  func.func @transform_0(%arg0: i32) -> (i32, i32) {
    %c0_i32 = arith.constant 0 : i32
    %c0_i32_0 = arith.constant 0 : i32
    return %arg0, %c0_i32 : i32, i32
  }
  func.func @transform_1(%arg0: i32) -> (i32, i32) {
    %c0_i32 = arith.constant 0 : i32
    %c0_i32_0 = arith.constant 0 : i32
    return %arg0, %c0_i32 : i32, i32
  }
  func.func @transform_2(%arg0: i32) -> (i32, i32) {
    %c0_i32 = arith.constant 0 : i32
    %c0_i32_0 = arith.constant 0 : i32
    return %arg0, %c0_i32 : i32, i32
  }
}

module attributes {stable_mosaic.version = 14 : i64} {
  func.func @_tc_mid_body(%arg0: i32, %arg1: memref<1x1000x128xf32, #tpu.memory_space<vmem>>, %arg2: memref<1x1000x128xf32, #tpu.memory_space<vmem>>, %arg3: memref<1000x128xf32, #tpu.memory_space<vmem>>, %arg4: memref<1000x1xf32, #tpu.memory_space<vmem>>, %arg5: memref<128x128xf32, #tpu.memory_space<vmem>>, %arg6: memref<1x128xf32, #tpu.memory_space<vmem>>, %arg7: memref<1000x128xf32, #tpu.memory_space<vmem>>) attributes {dimension_semantics = [#tpu.dimension_semantics<arbitrary>], iteration_bounds = array<i64: 10>, scalar_prefetch = 0 : i64, scratch_operands = 0 : i64, tpu.core_type = #tpu.core_type<tc>, window_params = [{transform_indices = @transform_0, window_bounds = array<i64: 1, 1000, 128>}, {transform_indices = @transform_1, window_bounds = array<i64: 1, 1000, 128>}, {transform_indices = @transform_2, window_bounds = array<i64: 1000, 128>}, {transform_indices = @transform_3, window_bounds = array<i64: 1000, 1>}, {pipeline_mode = #tpu.pipeline_mode<synchronous>, transform_indices = @transform_4, window_bounds = array<i64: 128, 128>}, {pipeline_mode = #tpu.pipeline_mode<synchronous>, transform_indices = @transform_5, window_bounds = array<i64: 1, 128>}, {transform_indices = @transform_6, window_bounds = array<i64: 1000, 128>}]} {
    %get3A = arith.constant 0 : index
    %get3A_0 = arith.constant 0 : index
    %get3A_1 = vector.load %arg4[%get3A, %get3A_0] : memref<1000x1xf32, #tpu.memory_space<vmem>>, vector<1000x1xf32>
    %add3A = arith.constant 1.000000e+00 : f32
    %add3A_2 = vector.broadcast %add3A : f32 to vector<1000x1xf32>
    %add3A_3 = arith.addf %get3A_1, %add3A_2 : vector<1000x1xf32>
    %rsqrt3A = math.rsqrt %add3A_3 : vector<1000x1xf32>
    %get3A_4 = arith.constant 0 : index
    %get3A_5 = arith.constant 0 : index
    %get3A_6 = arith.constant 0 : index
    %get3A_7 = vector.load %arg1[%get3A_4, %get3A_5, %get3A_6] : memref<1x1000x128xf32, #tpu.memory_space<vmem>>, vector<1x1000x128xf32>
    %get3A_8 = vector.shape_cast %get3A_7 : vector<1x1000x128xf32> to vector<1000x128xf32>
    %get3A_9 = arith.constant 0 : index
    %get3A_10 = arith.constant 0 : index
    %get3A_11 = arith.constant 0 : index
    %get3A_12 = vector.load %arg2[%get3A_9, %get3A_10, %get3A_11] : memref<1x1000x128xf32, #tpu.memory_space<vmem>>, vector<1x1000x128xf32>
    %get3A_13 = vector.shape_cast %get3A_12 : vector<1x1000x128xf32> to vector<1000x128xf32>
    %add3A_14 = arith.addf %get3A_8, %get3A_13 : vector<1000x128xf32>
    %get3A_15 = arith.constant 0 : index
    %get3A_16 = arith.constant 0 : index
    %get3A_17 = vector.load %arg3[%get3A_15, %get3A_16] : memref<1000x128xf32, #tpu.memory_space<vmem>>, vector<1000x128xf32>
    %add3A_18 = arith.addf %add3A_14, %get3A_17 : vector<1000x128xf32>
    %mul3A = vector.broadcast %rsqrt3A : vector<1000x1xf32> to vector<1000x128xf32>
    %mul3A_19 = arith.mulf %mul3A, %add3A_18 : vector<1000x128xf32>
    %get3A_20 = arith.constant 0 : index
    %get3A_21 = arith.constant 0 : index
    %get3A_22 = vector.load %arg6[%get3A_20, %get3A_21] : memref<1x128xf32, #tpu.memory_space<vmem>>, vector<1x128xf32>
    %add3A_23 = vector.broadcast %get3A_22 : vector<1x128xf32> to vector<1000x128xf32>
    %add3A_24 = arith.addf %mul3A_19, %add3A_23 : vector<1000x128xf32>
    %max3A = arith.constant 0.000000e+00 : f32
    %max3A_25 = vector.broadcast %max3A : f32 to vector<1000x128xf32>
    %max3A_26 = arith.maximumf %add3A_24, %max3A_25 : vector<1000x128xf32>
    %get3A_27 = arith.constant 0 : index
    %get3A_28 = arith.constant 0 : index
    %get3A_29 = vector.load %arg5[%get3A_27, %get3A_28] : memref<128x128xf32, #tpu.memory_space<vmem>>, vector<128x128xf32>
    %dot_general3A = arith.constant dense<0.000000e+00> : vector<1000x128xf32>
    %dot_general3A_30 = tpu.matmul %max3A_26, %get3A_29, %dot_general3A {dimension_numbers = #tpu.dot_dimension_numbers<[1], [0], [0], [1], [0, 0, 1, 1], [], []>, transpose_lhs_hint = false} : vector<1000x128xf32>, vector<128x128xf32>, vector<1000x128xf32> -> vector<1000x128xf32>
    %mul3A_31 = vector.broadcast %rsqrt3A : vector<1000x1xf32> to vector<1000x128xf32>
    %mul3A_32 = arith.mulf %mul3A_31, %dot_general3A_30 : vector<1000x128xf32>
    %swap3A = arith.constant 0 : index
    %swap3A_33 = arith.constant 0 : index
    %swap3A_34 = vector.load %arg7[%swap3A, %swap3A_33] : memref<1000x128xf32, #tpu.memory_space<vmem>>, vector<1000x128xf32>
    tpu.vector_store %arg7[%swap3A, %swap3A_33], %mul3A_32 {strides = array<i32>} : memref<1000x128xf32, #tpu.memory_space<vmem>>, vector<1000x128xf32>,
    return
  }
  func.func @transform_0(%arg0: i32) -> (i32, i32, i32) {
    %c0_i32 = arith.constant 0 : i32
    %c0_i32_0 = arith.constant 0 : i32
    %c0_i32_1 = arith.constant 0 : i32
    return %c0_i32, %arg0, %c0_i32_0 : i32, i32, i32
  }
  func.func @transform_1(%arg0: i32) -> (i32, i32, i32) {
    %c1_i32 = arith.constant 1 : i32
    %c0_i32 = arith.constant 0 : i32
    %c0_i32_0 = arith.constant 0 : i32
    return %c1_i32, %arg0, %c0_i32 : i32, i32, i32
  }
  func.func @transform_2(%arg0: i32) -> (i32, i32) {
    %c0_i32 = arith.constant 0 : i32
    %c0_i32_0 = arith.constant 0 : i32
    return %arg0, %c0_i32 : i32, i32
  }
  func.func @transform_3(%arg0: i32) -> (i32, i32) {
    %c0_i32 = arith.constant 0 : i32
    %c0_i32_0 = arith.constant 0 : i32
    return %arg0, %c0_i32 : i32, i32
  }
  func.func @transform_4(%arg0: i32) -> (i32, i32) {
    %c0_i32 = arith.constant 0 : i32
    %c0_i32_0 = arith.constant 0 : i32
    %c0_i32_1 = arith.constant 0 : i32
    return %c0_i32, %c0_i32_0 : i32, i32
  }
  func.func @transform_5(%arg0: i32) -> (i32, i32) {
    %c0_i32 = arith.constant 0 : i32
    %c0_i32_0 = arith.constant 0 : i32
    %c0_i32_1 = arith.constant 0 : i32
    return %c0_i32, %c0_i32_0 : i32, i32
  }
  func.func @transform_6(%arg0: i32) -> (i32, i32) {
    %c0_i32 = arith.constant 0 : i32
    %c0_i32_0 = arith.constant 0 : i32
    return %arg0, %c0_i32 : i32, i32
  }
}

module attributes {stable_mosaic.version = 14 : i64} {
  func.func @_tc_post_body(%arg0: i32, %arg1: memref<1x1000x128xf32, #tpu.memory_space<vmem>>, %arg2: memref<1x1000x128xf32, #tpu.memory_space<vmem>>, %arg3: memref<1000x128xf32, #tpu.memory_space<vmem>>, %arg4: memref<1000x1xf32, #tpu.memory_space<vmem>>, %arg5: memref<1x128xf32, #tpu.memory_space<vmem>>, %arg6: memref<1000x128xf32, #tpu.memory_space<vmem>>) attributes {dimension_semantics = [#tpu.dimension_semantics<arbitrary>], iteration_bounds = array<i64: 10>, scalar_prefetch = 0 : i64, scratch_operands = 0 : i64, tpu.core_type = #tpu.core_type<tc>, window_params = [{transform_indices = @transform_0, window_bounds = array<i64: 1, 1000, 128>}, {transform_indices = @transform_1, window_bounds = array<i64: 1, 1000, 128>}, {transform_indices = @transform_2, window_bounds = array<i64: 1000, 128>}, {transform_indices = @transform_3, window_bounds = array<i64: 1000, 1>}, {pipeline_mode = #tpu.pipeline_mode<synchronous>, transform_indices = @transform_4, window_bounds = array<i64: 1, 128>}, {transform_indices = @transform_5, window_bounds = array<i64: 1000, 128>}]} {
    %get3A = arith.constant 0 : index
    %get3A_0 = arith.constant 0 : index
    %get3A_1 = vector.load %arg4[%get3A, %get3A_0] : memref<1000x1xf32, #tpu.memory_space<vmem>>, vector<1000x1xf32>
    %add3A = arith.constant 1.000000e+00 : f32
    %add3A_2 = vector.broadcast %add3A : f32 to vector<1000x1xf32>
    %add3A_3 = arith.addf %get3A_1, %add3A_2 : vector<1000x1xf32>
    %rsqrt3A = math.rsqrt %add3A_3 : vector<1000x1xf32>
    %get3A_4 = arith.constant 0 : index
    %get3A_5 = arith.constant 0 : index
    %get3A_6 = arith.constant 0 : index
    %get3A_7 = vector.load %arg1[%get3A_4, %get3A_5, %get3A_6] : memref<1x1000x128xf32, #tpu.memory_space<vmem>>, vector<1x1000x128xf32>
    %get3A_8 = vector.shape_cast %get3A_7 : vector<1x1000x128xf32> to vector<1000x128xf32>
    %get3A_9 = arith.constant 0 : index
    %get3A_10 = arith.constant 0 : index
    %get3A_11 = arith.constant 0 : index
    %get3A_12 = vector.load %arg2[%get3A_9, %get3A_10, %get3A_11] : memref<1x1000x128xf32, #tpu.memory_space<vmem>>, vector<1x1000x128xf32>
    %get3A_13 = vector.shape_cast %get3A_12 : vector<1x1000x128xf32> to vector<1000x128xf32>
    %add3A_14 = arith.addf %get3A_8, %get3A_13 : vector<1000x128xf32>
    %get3A_15 = arith.constant 0 : index
    %get3A_16 = arith.constant 0 : index
    %get3A_17 = vector.load %arg3[%get3A_15, %get3A_16] : memref<1000x128xf32, #tpu.memory_space<vmem>>, vector<1000x128xf32>
    %add3A_18 = arith.addf %add3A_14, %get3A_17 : vector<1000x128xf32>
    %mul3A = vector.broadcast %rsqrt3A : vector<1000x1xf32> to vector<1000x128xf32>
    %mul3A_19 = arith.mulf %mul3A, %add3A_18 : vector<1000x128xf32>
    %get3A_20 = arith.constant 0 : index
    %get3A_21 = arith.constant 0 : index
    %get3A_22 = vector.load %arg5[%get3A_20, %get3A_21] : memref<1x128xf32, #tpu.memory_space<vmem>>, vector<1x128xf32>
    %add3A_23 = vector.broadcast %get3A_22 : vector<1x128xf32> to vector<1000x128xf32>
    %add3A_24 = arith.addf %mul3A_19, %add3A_23 : vector<1000x128xf32>
    %max3A = arith.constant 0.000000e+00 : f32
    %max3A_25 = vector.broadcast %max3A : f32 to vector<1000x128xf32>
    %max3A_26 = arith.maximumf %add3A_24, %max3A_25 : vector<1000x128xf32>
    %swap3A = arith.constant 0 : index
    %swap3A_27 = arith.constant 0 : index
    %swap3A_28 = vector.load %arg6[%swap3A, %swap3A_27] : memref<1000x128xf32, #tpu.memory_space<vmem>>, vector<1000x128xf32>
    tpu.vector_store %arg6[%swap3A, %swap3A_27], %max3A_26 {strides = array<i32>} : memref<1000x128xf32, #tpu.memory_space<vmem>>, vector<1000x128xf32>,
    return
  }
  func.func @transform_0(%arg0: i32) -> (i32, i32, i32) {
    %c0_i32 = arith.constant 0 : i32
    %c0_i32_0 = arith.constant 0 : i32
    %c0_i32_1 = arith.constant 0 : i32
    return %c0_i32, %arg0, %c0_i32_0 : i32, i32, i32
  }
  func.func @transform_1(%arg0: i32) -> (i32, i32, i32) {
    %c1_i32 = arith.constant 1 : i32
    %c0_i32 = arith.constant 0 : i32
    %c0_i32_0 = arith.constant 0 : i32
    return %c1_i32, %arg0, %c0_i32 : i32, i32, i32
  }
  func.func @transform_2(%arg0: i32) -> (i32, i32) {
    %c0_i32 = arith.constant 0 : i32
    %c0_i32_0 = arith.constant 0 : i32
    return %arg0, %c0_i32 : i32, i32
  }
  func.func @transform_3(%arg0: i32) -> (i32, i32) {
    %c0_i32 = arith.constant 0 : i32
    %c0_i32_0 = arith.constant 0 : i32
    return %arg0, %c0_i32 : i32, i32
  }
  func.func @transform_4(%arg0: i32) -> (i32, i32) {
    %c0_i32 = arith.constant 0 : i32
    %c0_i32_0 = arith.constant 0 : i32
    %c0_i32_1 = arith.constant 0 : i32
    return %c0_i32, %c0_i32_0 : i32, i32
  }
  func.func @transform_5(%arg0: i32) -> (i32, i32) {
    %c0_i32 = arith.constant 0 : i32
    %c0_i32_0 = arith.constant 0 : i32
    return %arg0, %c0_i32 : i32, i32
  }
}

</mosaic_0001>

<sc_bundles>
// kernel: kernel.12.cloned.1.call-start
scs
__scs_entry_jumppad:
0x0: {  	(pc) =	sbr.rel $0x88, $3  }
0x1: {  	(tag) =	ssettag $0x0;
	lr =	simm.s32 $0x1  }
0x2: {  	[smem:$0x3F9B] =	sst lr;
	_ =	strace $0xD0000000  }
0x3: {  	_ = 	snop  }
0x4: {  	_ = 	snop  }
0x5: {  	_ = 	snop  }
0x6: {  	_ = 	snop  }
0x7: {  	_ = 	snop  }
__scs_overlays_trampoline_lowered:
0x8: {  	[smem:$0x3FAA] =	sst s0  }
0x9: {  	[smem:$0x3FAB] =	sst s1  }
0xa: {  	[smem:$0x3FAC] =	sst s2  }
0xb: {  	[smem:$0x3FAD] =	sst s3  }
0xc: {  	[smem:$0x3FAE] =	sst s4  }
0xd: {  	[smem:$0x3FAF] =	sst s5  }
0xe: {  	[smem:$0x3FB0] =	sst s6  }
0xf: {  	[smem:$0x3FB1] =	sst s7  }
0x10: {  	[smem:$0x3FB2] =	sst s8  }
0x11: {  	[smem:$0x3FB3] =	sst s9;
	s0 =	simm.s32 @!p0 $0x0  }
0x12: {  	s1 =	sld [smem:$0x3F99];
	s0 =	simm.s32 @p0 $0x1  }
0x13: {  	[smem:$0x3FB4] =	sst s0;
	s0 =	simm.s32 @!p1 $0x0  }
0x14: {  	s2 =	sld [smem:$0x3F98];
	s0 =	simm.s32 @p1 $0x1  }
0x15: {  	[smem:$0x3FB5] =	sst s0;
	s0 =	simm.s32 @!p2 $0x0  }
0x16: {  	s3 =	sld [smem:$0x3FDB];
	s0 =	simm.s32 @p2 $0x1  }
0x17: {  	s4 =	simm.s32 $0x1BF5;
	[smem:$0x3FB7] =	sst s0  }
0x18: {  	s0 =	sld [smem:$0x3F9A];
	_ =	swait.ge [sflag:s4], $0x0  }
0x19: {  	s7 =	sld [smem:$0x3F9B]  }
0x1a: {  	s8 =	sadd.s32 $0xFFFFE003, lr  }
0x1b: {  	s9 =	sadd.s32 $0xFFFFFEF7, lr;
	s5 =	simm.s32 $0xFFFFFFFF;
	p2 =	slt.u32 s8, $0xFFFFF086  }
0x1c: {  	p1 =	slt.u32 s9, $0xF7A;
	s5 =	simm.s32 @!p2 $0x0  }
0x1d: {  	s5 =	simm.s32 @p1 $0x1;
	p0 =	seq.s32 s7, s2  }
0x1e: {  	s7 =	smul.u32 @!p0 $0xF7A, s2;
	p2 =	seq.s32 @!p0 s5, $0x0  }
0x1f: {  	s9 =	smul.u32 $0xF7A, s1;
	s8 =	simm.s32 @!p0 $0x1BF5;
	p2 =	por !p2, p0  }
0x20: {  	[sflag:s8] =	ssyncset.s32 @!p0 $0xFFFFF086;
	s6 =	sadd.s32 @!p0 s3, s7;
	s7 =	simm.s32 @!p0 $0x108  }
0x21: {  	s3 =	sadd.s32 s3, s9;
	s6 =	sadd.s32 @!p0 $0x88, s6;
	s7 =	simm.s32 @p2 $0x1082  }
0x22: {  	[simem:s7], [sflag:s8] =	dma.local @!p0 [hbm:s6], $0xF7A  }
0x23: {  	s9 =	sor.u32 $0xD0000000, s2;
	s6 =	simm.s32 $0x108;
	_ =	swait.ge @!p0 [sflag:s8], $0x0  }
0x24: {  	s3 =	sadd.s32 $0x88, s3;
	s6 =	simm.s32 @!p1 $0x1082;
	[sflag:s4] =	ssyncset.s32 $0xFFFFF086  }
0x25: {  	[simem:s6], [sflag:s4] =	dma.local [hbm:s3], $0xF7A  }
0x26: {  	[smem:$0x3F9B] =	sst s1;
	(tag) =	ssettag s2;
	_ =	strace s9  }
0x27: {  	s1 =	sld [smem:$0x3FAB]  }
0x28: {  	s2 =	sld [smem:$0x3FAC]  }
0x29: {  	s4 =	sld [smem:$0x3FAE]  }
0x2a: {  	p0 =	seq.s32 s5, $0x0;
	s5 =	sld [smem:$0x3FAF]  }
0x2b: {  	s6 =	sld [smem:$0x3FB0]  }
0x2c: {  	s7 =	sld [smem:$0x3FB1]  }
0x2d: {  	s3 =	simm.s32 $0x108;
	s8 =	sld [smem:$0x3FB2]  }
0x2e: {  	s3 =	simm.s32 @!p0 $0x1082;
	s9 =	sld [smem:$0x3FB3]  }
0x2f: {  	lr =	sadd.s32 s0, s3;
	s0 =	sld [smem:$0x3FAA]  }
0x30: {  	s3 =	sld [smem:$0x3FAD]  }
0x31: {  	[smem:$0x3FB6] =	sst s10  }
0x32: {  	s10 =	sld [smem:$0x3FB4];
	_ =	sdelay $0x3  }
0x33: {  	p0 =	seq.s32 s10, $0x1;
	s10 =	sld [smem:$0x3FB6];
	_ =	sdelay $0x3  }
0x34: {  	[smem:$0x3FB6] =	sst s10  }
0x35: {  	s10 =	sld [smem:$0x3FB5];
	_ =	sdelay $0x3  }
0x36: {  	p1 =	seq.s32 s10, $0x1;
	s10 =	sld [smem:$0x3FB6];
	_ =	sdelay $0x3  }
0x37: {  	[smem:$0x3FB6] =	sst s10  }
0x38: {  	s10 =	sld [smem:$0x3FB7]  }
0x39: {  	_ = 	snop;
	(pc) =	sbr.ind lr, $3  }
0x3a: {  	_ = 	snop  }
0x3b: {  	_ = 	snop  }
0x3c: {  	p2 =	seq.s32 s10, $0x1;
	s10 =	sld [smem:$0x3FB6]  }
0x3d: {  	_ =	shalt  }
0x3e: {  	_ =	shalt  }
0x3f: {  	_ =	shalt  }
0x40: {  	_ =	shalt  }
0x41: {  	_ =	shalt  }
0x42: {  	_ =	shalt  }
0x43: {  	_ =	shalt  }
0x44: {  	_ =	shalt  }
0x45: {  	_ =	shalt  }
0x46: {  	_ =	shalt  }
0x47: {  	_ =	shalt  }
0x48: {  	_ =	shalt  }
0x49: {  	_ =	shalt  }
0x4a: {  	_ =	shalt  }
0x4b: {  	_ =	shalt  }
0x4c: {  	_ =	shalt  }
0x4d: {  	_ =	shalt  }
0x4e: {  	_ =	shalt  }
0x4f: {  	_ =	shalt  }
0x50: {  	_ =	shalt  }
0x51: {  	_ =	shalt  }
0x52: {  	_ =	shalt  }
0x53: {  	_ =	shalt  }
0x54: {  	_ =	shalt  }
0x55: {  	_ =	shalt  }
0x56: {  	_ =	shalt  }
0x57: {  	_ =	shalt  }
0x58: {  	_ =	shalt  }
0x59: {  	_ =	shalt  }
0x5a: {  	_ =	shalt  }
0x5b: {  	_ =	shalt  }
0x5c: {  	_ =	shalt  }
0x5d: {  	_ =	shalt  }
0x5e: {  	_ =	shalt  }
0x5f: {  	_ =	shalt  }
0x60: {  	_ =	shalt  }
0x61: {  	_ =	shalt  }
0x62: {  	_ =	shalt  }
0x63: {  	_ =	shalt  }
0x64: {  	_ =	shalt  }
0x65: {  	_ =	shalt  }
0x66: {  	_ =	shalt  }
0x67: {  	_ =	shalt  }
0x68: {  	_ =	shalt  }
0x69: {  	_ =	shalt  }
0x6a: {  	_ =	shalt  }
0x6b: {  	_ =	shalt  }
0x6c: {  	_ =	shalt  }
0x6d: {  	_ =	shalt  }
0x6e: {  	_ =	shalt  }
0x6f: {  	_ =	shalt  }
0x70: {  	_ =	shalt  }
0x71: {  	_ =	shalt  }
0x72: {  	_ =	shalt  }
0x73: {  	_ =	shalt  }
0x74: {  	_ =	shalt  }
0x75: {  	_ =	shalt  }
0x76: {  	_ =	shalt  }
0x77: {  	_ =	shalt  }
0x78: {  	_ =	shalt  }
0x79: {  	_ =	shalt  }
0x7a: {  	_ =	shalt  }
0x7b: {  	_ =	shalt  }
0x7c: {  	_ =	shalt  }
0x7d: {  	_ =	shalt  }
0x7e: {  	_ =	shalt  }
0x7f: {  	_ =	shalt  }
0x80: {  	_ =	shalt  }
0x81: {  	_ =	shalt  }
0x82: {  	_ =	shalt  }
0x83: {  	_ =	shalt  }
0x84: {  	_ =	shalt  }
0x85: {  	_ =	shalt  }
0x86: {  	_ =	shalt  }
0x87: {  	_ =	shalt  }
.Lfunc_end0:
.L_simem_size_0:
called_computation.1_lowered:
.L_overlay_start_0:
0x88: {  	s2 =	sld [smem:$0x3FD9]  }
0x89: {  	s3 =	sld [smem:$0x3FFE];
	_ =	sdelay $0x1  }
0x8a: {  	s1 =	srdreg.scid  }
0x8b: {  	s0 =	sand.u32 $0x1, s1  }
0x8c: {  	s17 =	sshll.u32 s0, $0xA;
	s2 =	sadd.s32 s3, s2  }
0x8d: {  	s2 =	sadd.s32 s2, s17  }
0x8e: {  	[smem:$0x3FC2] =	sst s2  }
0x8f: {  	_ = 	snop  }
0x90: {  	s2 =	sld [smem:$0x3FD0];
	(tm) =	ssettm $0x1  }
0x91: {  	s18 =	sld [smem:$0x3FFB];
	_ =	sdelay $0x3  }
0x92: {  	_ =	strace s18  }
0x93: {  	s3 =	sld [smem:$0x3FFC];
	_ =	sdelay $0x3  }
0x94: {  	_ =	strace s3  }
0x95: {  	s3 =	sld [smem:$0x3FFD];
	_ =	sdelay $0x3  }
0x96: {  	_ =	strace s3  }
0x97: {  	_ =	strace $0x8FFFFFFF  }
0x98: {  	s19 =	sld [smem:$0x3FDB];
	_ =	sdelay $0x1  }
0x99: {  	s4 =	simm.s32 $_scs_section_size  }
0x9a: {  	s5 =	simm.s32 $_size__tile_overlayer_lowered;
	s6 =	simm.s32 $_tile_overlayer_lowered  }
0x9b: {  	s22 =	simm.s32 $0x1BFF;
	s21 =	sshll.u32 s6, $0x1;
	s3 =	sadd.s32 s4, s19  }
0x9c: {  	s7 =	simm.s32 $0x0;
	s20 =	sshll.u32 s5, $0x1;
	s5 =	sadd.s32 s21, s3  }
0x9d: {  	[timem:s7], [sflag:s22] =	dma.local [hbm:s5], s20  }
0x9e: {  	_ =	swait.ge [sflag:s22], s20  }
0x9f: {  	s4 =	ssub.s32 $0x0, s20;
	[sflag:s22] =	ssyncset.done $0x0  }
0xa0: {  	[sflag:s22] =	ssyncadd.s32 s4;
	_ =	sdelay $0x1  }
0xa1: {  	s23 =	simm.s32 $0x1B8B  }
0xa2: {  	_ =	swait.ge [sflag:s23], $0x1  }
0xa3: {  	[sflag:s23] =	ssyncset.done $0x0  }
0xa4: {  	s25 =	simm.s32 $0x1B8E;
	s24 =	sld [smem:$0x3FFE];
	[sflag:s23] =	ssyncadd.s32 $0xFFFFFFFF  }
0xa5: {  	s26 =	simm.s32 $execute0_lowered;
	[smem:$0x3FD2] =	sst s25  }
0xa6: {  	s5 =	sshll.u32 s26, $0x1;
	_ =	strace $0x80000049;
	[dreg:$0x1] =	wrdreg $0xFFFFFFFF  }
0xa7: {  	s28 =	simm.s32 $_size_execute0_lowered;
	s3 =	sadd.s32 s3, s5;
	[dreg:$0x0] =	wrdreg $0x0  }
0xa8: {  	s5 =	sshll.u32 s28, $0x1;
	[dreg:$0x2] =	wrdreg s3  }
0xa9: {  	[dreg:$0x3] =	wrdreg s5  }
0xaa: {  	[dreg:$0x4] =	wrdreg $0xC0  }
0xab: {  	_ =	task [dreg:s7], $0x5FFFF  }
0xac: {  	[dreg:$0x1] =	wrdreg $0xFFFFFFFF  }
0xad: {  	[dreg:$0x0] =	wrdreg $0x60  }
0xae: {  	[dreg:$0x2] =	wrdreg s2  }
0xaf: {  	[dreg:$0x3] =	wrdreg s24  }
0xb0: {  	[dreg:$0x4] =	wrdreg $0x0  }
0xb1: {  	[dreg:$0x5] =	wrdreg $0x9  }
0xb2: {  	_ =	task.clear_ibuf [dreg:s7], $0x6FFFF;
	_ =	strace $0x90000049  }
0xb3: {  	s29 =	simm.s32 $0x9;
	_ =	strace $0x8000004B  }
0xb4: {  	_ =	swait.ge [sflag:s29], $0x1  }
0xb5: {  	[sflag:s29] =	ssyncadd.s32 $0xFFFFFFFF  }
0xb6: {  	_ =	strace $0x9000004B  }
0xb7: {  	_ =	sfence  }
0xb8: {  	s30 =	sld [smem:$0x0];
	_ =	sdelay $0x2  }
0xb9: {  	s31 =	sshll.u32 s1, $0xD;
	s1 =	sshrl.u32 s1, $0x2  }
0xba: {  	s3 =	sand.u32 $0x4000, s31;
	s1 =	sadd.s32 s1, s30  }
0xbb: {  	s0 =	sor.u32 s3, s0;
	s1 =	sshll.u32 s1, $0x11  }
0xbc: {  	s0 =	sor.u32 s1, s0  }
0xbd: {  	s0 =	sadd.s32 $0x8F2B, s0  }
0xbe: {  	[sflag:s0] =	ssyncadd.remote.s32 $0x1  }
0xbf: {  	_ =	sfence.sel $0xFFFF  }
0xc0: {  	[dreg:$0x0] =	wrdreg $0xFFFFFFFF;
	(pc) =	sbr.abs _section_cstart, $3  }
0xc1: {  	[dreg:$0x1] =	wrdreg $0xFFFFFFFF  }
0xc2: {  	_ =	task.clear_ibuf [dreg:s7], $0x2FFFF;
	_ =	strace $0x9FFFFFFF  }
0xc3: {  	(tm) =	ssettm $0x7FFFFFFF  }
tec
execute0_lowered:
.L_overlay_start_1:
0x0: {  	(tag) =	ssettag $0x1  }
0x1: {  	s1 =	rddreg [dreg:$0x0]  }
0x2: {  	s0 =	srdreg.scid;
	s8 =	rddreg [dreg:$0x1]  }
0x3: {  	s3 =	rddreg [dreg:$0x2];
	s5 =	simm.s32 $0x0;
	s18 =	simm.s32 $0x1  }
0x4: {  	s19 =	simm.s32 $0x2;
	s7 =	sand.u32 $0x1, s0;
	s0 =	stileid.u32  }
0x5: {  	s20 =	simm.s32 $0x80;
	s21 =	simm.s32 $0x0;
	s9 =	smul.u32 $0x14000, s0  }
0x6: {  	[smem:$0x7FF] =	sst s5;
	s6 =	sadd.s32 $0x2000, s8;
	s11 =	smul.u32 $0x140000, s7  }
0x7: {  	s2 =	sshll.u32 s7, $0x4;
	s7 =	ssub.s32 $0x2, s7;
	s14 =	smul.u32 $0x50000, s0  }
0x8: {  	s16 =	sshll.u32 s0, $0x6;
	s2 =	sor.u32 s0, s2;
	s30 =	sshrl.u32 s7, $0x1  }
0x9: {  	s16 =	sor.u32 $0x1C03, s16;
	s4 =	smul.u32 $0x2800, s2;
	s2 =	rddreg [dreg:$0x3]  }
0xa: {  	_ =	strace $0x8000004A;
	s13 =	sshrl.u32 s9, $0x3;
	s9 =	sadd.s32 s9, s11  }
0xb: {  	s11 =	ssub.s32 s7, s30;
	s31 =	sshrl.u32 s14, $0x2;
	s14 =	simm.s32 $0x16900  }
0xc: {  	s9 =	sshrl.u32 s9, $0x3;
	s13 =	sadd.s32 s13, s8;
	s17 =	sadd.s32 s31, s3  }
0xd: {  	s11 =	smax.u32 s11, $0x1;
	s10 =	sshrl.u32 s4, $0x3;
	s15 =	sadd.s32 s9, s8  }
0xe: {  	s9 =	sadd.s32 $0x16000, s13;
	s13 =	simm.s32 $0x3;
	s17 =	sshrl.u32 s17, $0x3  }
0xf: {  	s12 =	sadd.s32 s10, s8;
	s8 =	sadd.s32 s6, s10;
	s10 =	sadd.s32 $0x3E000, s15  }
0x10: {  	s15 =	simm.s32 $0x16800;
	s7 =	sadd.s32 $0xC000, s12;
	s12 =	simm.s32 $0x14000  }
.LBB2_1:
0x11: {  	[tilespmem:s12], [sflag:$0x3] =	stream.linear.gather [hbm4b:s7+s5], $0x2780, $0x38;
	[tilespmem:$0x1E900] =	vst v63  }
0x12: {  	_ =	swait.ge [sflag:s13], $0x2780  }
0x13: {  	[sflag:s13] =	ssyncset.done $0x0  }
0x14: {  	[sflag:s13] =	ssyncadd.s32 $0xFFFFD880  }
0x15: {  	[tilespmem:s14], [sflag:$0x1] =	stream.indirect.gather [hbm4b:s1+s20], $0x80, s12, s20, $0xb8;
	[tilespmem:$0x1E900] =	vst v63  }
0x16: {  	_ = 	snop  }
0x17: {  	[tilespmem:s15], [sflag:$0x2] =	stream.linear.gather [hbm4b:s8+s5], $0x80, $0x38;
	[tilespmem:$0x1E900] =	vst v63  }
0x18: {  	[spmem:s17], [sflag:s16] =	dma.local [hbm:s9], $0x2800  }
0x19: {  	_ =	swait.ge [sflag:s13], $0x2800  }
0x1a: {  	[sflag:s13] =	ssyncset.done $0x0  }
0x1b: {  	[sflag:s13] =	ssyncadd.s32 $0xFFFFD800  }
0x1c: {  	s22 =	simm.s32 $0x14080;
	s23 =	sand.u32 $0x380, s20;
	[bflag:$0x0] =	sbarrier.arrive $0xFFFF  }
0x1d: {  	s24 =	sand.u32 $0x1, s5;
	s25 =	sand.u32 $0x7C00, s20;
	_ =	swait.ge [sflag:s18], $0x4000  }
0x1e: {  	s26 =	sxor.u32 $0x1, s24;
	s25 =	sadd.s32 s4, s25;
	[sflag:s18] =	ssyncset.done $0x0  }
0x1f: {  	s29 =	sshll.u32 s24, $0x7;
	s31 =	sshll.u32 s24, $0xE;
	[sflag:s18] =	ssyncadd.s32 $0xFFFFC000  }
0x20: {  	s24 =	simm.s32 $0x14100;
	s28 =	sshll.u32 s26, $0xE;
	_ =	swait.ge [sflag:s19], $0x80  }
0x21: {  	s23 =	sor.u32 s23, s25;
	s26 =	sshll.u32 s26, $0x7;
	[sflag:s19] =	ssyncset.done $0x0  }
0x22: {  	s28 =	sadd.s32 $0x16900, s28;
	s23 =	sshrl.u32 s23, $0x3;
	[sflag:s19] =	ssyncadd.s32 $0xFFFFFF80  }
0x23: {  	[tilespmem:s28], [sflag:$0x1] =	stream.indirect.gather [hbm4b:s1+s20], $0x80, s22, s20, $0xb8;
	[tilespmem:$0x1E900] =	vst v63  }
0x24: {  	s25 =	sor.u32 $0x16800, s29;
	s30 =	sor.u32 $0x16800, s26;
	s23 =	sadd.s32 s6, s23  }
0x25: {  	[tilespmem:s30], [sflag:$0x2] =	stream.linear.gather [hbm4b:s23+s5], $0x80, $0x38;
	[tilespmem:$0x1E900] =	vst v63  }
0x26: {  	s26 =	sadd.s32 $0x16900, s31;
	s22 =	simm.s32 $0x100;
	s23 =	simm.s32 $0x1  }
.LBB2_2:
0x27: {  	[spmem:s3] =	stream.indirect.scatter.add.f32 [tilespmem:s26], [sflag:$0x3], $0x80, s25, s20, $0xb8;
	[tilespmem:$0x1E900] =	vst v63  }
0x28: {  	s25 =	smov.u32 s22  }
0x29: {  	p0 =	sne.s32 s22, $0x2700;
	s22 =	sadd.s32 $0x80, s22;
	_ =	swait.ge [sflag:s13], $0x4000  }
0x2a: {  	[sflag:s13] =	ssyncset.done $0x0  }
0x2b: {  	s26 =	sand.u32 $0x380, s25;
	[sflag:s13] =	ssyncadd.s32 $0xFFFFC000  }
0x2c: {  	s28 =	sand.u32 $0x1, s23;
	s29 =	sand.u32 $0x7C00, s25;
	_ =	swait.ge [sflag:s18], $0x4000  }
0x2d: {  	s25 =	sshll.u32 s28, $0x7;
	s30 =	sxor.u32 $0x1, s28;
	[sflag:s18] =	ssyncset.done $0x0  }
0x2e: {  	s25 =	sor.u32 $0x16800, s25;
	s31 =	sshll.u32 s30, $0xE;
	[sflag:s18] =	ssyncadd.s32 $0xFFFFC000  }
0x2f: {  	s29 =	sadd.s32 s4, s29;
	s31 =	sadd.s32 $0x16900, s31;
	_ =	swait.ge [sflag:s19], $0x80  }
0x30: {  	s28 =	sshll.u32 s28, $0xE;
	s26 =	sor.u32 s26, s29;
	s29 =	sshll.u32 s30, $0x7  }
0x31: {  	s26 =	sshrl.u32 s26, $0x3;
	s29 =	sor.u32 $0x16800, s29;
	[sflag:s19] =	ssyncset.done $0x0  }
.Ltmp0:
0x32: {  	s30 =	sadd.s32 s6, s26;
	[sflag:s19] =	ssyncadd.s32 $0xFFFFFF80;
	(pc) =	sbr.rel @p0 .LBB2_2-.Ltmp0, $4  }
0x33: {  	[tilespmem:s31], [sflag:$0x1] =	stream.indirect.gather [hbm4b:s1+s20], $0x80, s24, s20, $0xb8;
	[tilespmem:$0x1E900] =	vst v63  }
0x34: {  	s26 =	sadd.s32 $0x16900, s28  }
0x35: {  	[tilespmem:s29], [sflag:$0x2] =	stream.linear.gather [hbm4b:s30+s5], $0x80, $0x38;
	[tilespmem:$0x1E900] =	vst v63  }
0x36: {  	s23 =	sadd.s32 $0x1, s23;
	s24 =	sadd.s32 $0x80, s24  }
0x37: {  	[spmem:s3] =	stream.indirect.scatter.add.f32 [tilespmem:s26], [sflag:$0x3], $0x80, s25, s20, $0xb8;
	[tilespmem:$0x1E900] =	vst v63  }
0x38: {  	_ =	swait.ge [sflag:s13], $0x4000  }
0x39: {  	[sflag:s13] =	ssyncset.done $0x0  }
0x3a: {  	[sflag:s13] =	ssyncadd.s32 $0xFFFFC000  }
0x3b: {  	_ =	swait.ge [sflag:s18], $0x4000  }
0x3c: {  	[sflag:s18] =	ssyncset.done $0x0  }
0x3d: {  	[sflag:s18] =	ssyncadd.s32 $0xFFFFC000  }
0x3e: {  	_ =	swait.ge [sflag:s19], $0x80  }
0x3f: {  	[sflag:s19] =	ssyncset.done $0x0  }
0x40: {  	[sflag:s19] =	ssyncadd.s32 $0xFFFFFF80  }
0x41: {  	[spmem:s3] =	stream.indirect.scatter.add.f32 [tilespmem:s14], [sflag:$0x3], $0x80, s15, s20, $0xb8;
	[tilespmem:$0x1E900] =	vst v63  }
0x42: {  	_ =	swait.ge [sflag:s13], $0x4000  }
0x43: {  	s21 =	sadd.s32 $0x1, s21;
	[sflag:s13] =	ssyncset.done $0x0  }
0x44: {  	p0 =	sne.s32 s21, s11;
	[sflag:s13] =	ssyncadd.s32 $0xFFFFC000  }
.Ltmp1:
0x45: {  	[bflag:$0x0] =	sbarrier.arrive $0xFFFF;
	(pc) =	sbr.rel @p0 .LBB2_1-.Ltmp1, $4  }
0x46: {  	[hbm:s10], [sflag:s16] =	dma.local [spmem:s17], $0x2800  }
0x47: {  	_ =	swait.ge [sflag:s13], $0x2800  }
0x48: {  	[sflag:s13] =	ssyncset.done $0x0  }
0x49: {  	[sflag:s13] =	ssyncadd.s32 $0xFFFFD800  }
0x4a: {  	_ =	sfence.sel $0x180000  }
0x4b: {  	[bflag:$0x0] =	sbarrier.arrive $0xFFFF  }
0x4c: {  	p0 =	sne.s32 s0, $0x0;
	_ =	strace $0x9000004A  }
0x4d: {  	s0 =	sadd.s32 @!p0 $0x100000, s2;
	[bflag:$0x2] =	sbarrier.arrive $0xFFFF  }
0x4e: {  	[sflag:s0] =	ssyncadd.tile.s32 @!p0 $0x1;
	_ =	shalt  }
.Lfunc_end2:
_tile_overlayer_lowered:
.L_overlay_start_2:
0x4f: {  	(tag) =	ssettag $0x2  }
0x50: {  	s0 =	rddreg [dreg:$0x0];
	s2 =	stileid.u32  }
0x51: {  	s1 =	rddreg [dreg:$0x1];
	p0 =	sne.s32 s2, $0x0  }
0x52: {  	s3 =	rddreg [dreg:$0x2];
	[bflag:$0x3] =	sbarrier.arrive $0xFFFF;
	s2 =	simm.s32 @!p0 $0x1C03  }
0x53: {  	[timem:s3], [sflag:s2] =	dma.local @!p0 [hbm:s0], s1  }
0x54: {  	s0 =	simm.s32 @!p0 $0x3  }
0x55: {  	_ =	swait.ge @!p0 [sflag:s0], s1  }
0x56: {  	s1 =	ssub.s32 @!p0 $0x0, s1;
	[sflag:s0] =	ssyncset.done @!p0 $0x0  }
0x57: {  	[sflag:s0] =	ssyncadd.s32 @!p0 s1  }
0x58: {  	[bflag:$0x3] =	sbarrier.arrive $0xFFFF  }
0x59: {  	_ =	shalt  }

// kernel: kernel.15.cloned.1.call-start
scs
__scs_entry_jumppad:
0x0: {  	(pc) =	sbr.rel $0x88, $3  }
0x1: {  	(tag) =	ssettag $0x0;
	lr =	simm.s32 $0x1  }
0x2: {  	[smem:$0x3F9B] =	sst lr;
	_ =	strace $0xD0000000  }
0x3: {  	_ = 	snop  }
0x4: {  	_ = 	snop  }
0x5: {  	_ = 	snop  }
0x6: {  	_ = 	snop  }
0x7: {  	_ = 	snop  }
__scs_overlays_trampoline_lowered:
0x8: {  	[smem:$0x3FAA] =	sst s0  }
0x9: {  	[smem:$0x3FAB] =	sst s1  }
0xa: {  	[smem:$0x3FAC] =	sst s2  }
0xb: {  	[smem:$0x3FAD] =	sst s3  }
0xc: {  	[smem:$0x3FAE] =	sst s4  }
0xd: {  	[smem:$0x3FAF] =	sst s5  }
0xe: {  	[smem:$0x3FB0] =	sst s6  }
0xf: {  	[smem:$0x3FB1] =	sst s7  }
0x10: {  	[smem:$0x3FB2] =	sst s8  }
0x11: {  	[smem:$0x3FB3] =	sst s9;
	s0 =	simm.s32 @!p0 $0x0  }
0x12: {  	s1 =	sld [smem:$0x3F99];
	s0 =	simm.s32 @p0 $0x1  }
0x13: {  	[smem:$0x3FB4] =	sst s0;
	s0 =	simm.s32 @!p1 $0x0  }
0x14: {  	s2 =	sld [smem:$0x3F98];
	s0 =	simm.s32 @p1 $0x1  }
0x15: {  	[smem:$0x3FB5] =	sst s0;
	s0 =	simm.s32 @!p2 $0x0  }
0x16: {  	s3 =	sld [smem:$0x3FDB];
	s0 =	simm.s32 @p2 $0x1  }
0x17: {  	s4 =	simm.s32 $0x1BF5;
	[smem:$0x3FB7] =	sst s0  }
0x18: {  	s0 =	sld [smem:$0x3F9A];
	_ =	swait.ge [sflag:s4], $0x0  }
0x19: {  	s7 =	sld [smem:$0x3F9B]  }
0x1a: {  	s8 =	sadd.s32 $0xFFFFE003, lr  }
0x1b: {  	s9 =	sadd.s32 $0xFFFFFEF7, lr;
	s5 =	simm.s32 $0xFFFFFFFF;
	p2 =	slt.u32 s8, $0xFFFFF086  }
0x1c: {  	p1 =	slt.u32 s9, $0xF7A;
	s5 =	simm.s32 @!p2 $0x0  }
0x1d: {  	s5 =	simm.s32 @p1 $0x1;
	p0 =	seq.s32 s7, s2  }
0x1e: {  	s7 =	smul.u32 @!p0 $0xF7A, s2;
	p2 =	seq.s32 @!p0 s5, $0x0  }
0x1f: {  	s9 =	smul.u32 $0xF7A, s1;
	s8 =	simm.s32 @!p0 $0x1BF5;
	p2 =	por !p2, p0  }
0x20: {  	[sflag:s8] =	ssyncset.s32 @!p0 $0xFFFFF086;
	s6 =	sadd.s32 @!p0 s3, s7;
	s7 =	simm.s32 @!p0 $0x108  }
0x21: {  	s3 =	sadd.s32 s3, s9;
	s6 =	sadd.s32 @!p0 $0x88, s6;
	s7 =	simm.s32 @p2 $0x1082  }
0x22: {  	[simem:s7], [sflag:s8] =	dma.local @!p0 [hbm:s6], $0xF7A  }
0x23: {  	s9 =	sor.u32 $0xD0000000, s2;
	s6 =	simm.s32 $0x108;
	_ =	swait.ge @!p0 [sflag:s8], $0x0  }
0x24: {  	s3 =	sadd.s32 $0x88, s3;
	s6 =	simm.s32 @!p1 $0x1082;
	[sflag:s4] =	ssyncset.s32 $0xFFFFF086  }
0x25: {  	[simem:s6], [sflag:s4] =	dma.local [hbm:s3], $0xF7A  }
0x26: {  	[smem:$0x3F9B] =	sst s1;
	(tag) =	ssettag s2;
	_ =	strace s9  }
0x27: {  	s1 =	sld [smem:$0x3FAB]  }
0x28: {  	s2 =	sld [smem:$0x3FAC]  }
0x29: {  	s4 =	sld [smem:$0x3FAE]  }
0x2a: {  	p0 =	seq.s32 s5, $0x0;
	s5 =	sld [smem:$0x3FAF]  }
0x2b: {  	s6 =	sld [smem:$0x3FB0]  }
0x2c: {  	s7 =	sld [smem:$0x3FB1]  }
0x2d: {  	s3 =	simm.s32 $0x108;
	s8 =	sld [smem:$0x3FB2]  }
0x2e: {  	s3 =	simm.s32 @!p0 $0x1082;
	s9 =	sld [smem:$0x3FB3]  }
0x2f: {  	lr =	sadd.s32 s0, s3;
	s0 =	sld [smem:$0x3FAA]  }
0x30: {  	s3 =	sld [smem:$0x3FAD]  }
0x31: {  	[smem:$0x3FB6] =	sst s10  }
0x32: {  	s10 =	sld [smem:$0x3FB4];
	_ =	sdelay $0x3  }
0x33: {  	p0 =	seq.s32 s10, $0x1;
	s10 =	sld [smem:$0x3FB6];
	_ =	sdelay $0x3  }
0x34: {  	[smem:$0x3FB6] =	sst s10  }
0x35: {  	s10 =	sld [smem:$0x3FB5];
	_ =	sdelay $0x3  }
0x36: {  	p1 =	seq.s32 s10, $0x1;
	s10 =	sld [smem:$0x3FB6];
	_ =	sdelay $0x3  }
0x37: {  	[smem:$0x3FB6] =	sst s10  }
0x38: {  	s10 =	sld [smem:$0x3FB7]  }
0x39: {  	_ = 	snop;
	(pc) =	sbr.ind lr, $3  }
0x3a: {  	_ = 	snop  }
0x3b: {  	_ = 	snop  }
0x3c: {  	p2 =	seq.s32 s10, $0x1;
	s10 =	sld [smem:$0x3FB6]  }
0x3d: {  	_ =	shalt  }
0x3e: {  	_ =	shalt  }
0x3f: {  	_ =	shalt  }
0x40: {  	_ =	shalt  }
0x41: {  	_ =	shalt  }
0x42: {  	_ =	shalt  }
0x43: {  	_ =	shalt  }
0x44: {  	_ =	shalt  }
0x45: {  	_ =	shalt  }
0x46: {  	_ =	shalt  }
0x47: {  	_ =	shalt  }
0x48: {  	_ =	shalt  }
0x49: {  	_ =	shalt  }
0x4a: {  	_ =	shalt  }
0x4b: {  	_ =	shalt  }
0x4c: {  	_ =	shalt  }
0x4d: {  	_ =	shalt  }
0x4e: {  	_ =	shalt  }
0x4f: {  	_ =	shalt  }
0x50: {  	_ =	shalt  }
0x51: {  	_ =	shalt  }
0x52: {  	_ =	shalt  }
0x53: {  	_ =	shalt  }
0x54: {  	_ =	shalt  }
0x55: {  	_ =	shalt  }
0x56: {  	_ =	shalt  }
0x57: {  	_ =	shalt  }
0x58: {  	_ =	shalt  }
0x59: {  	_ =	shalt  }
0x5a: {  	_ =	shalt  }
0x5b: {  	_ =	shalt  }
0x5c: {  	_ =	shalt  }
0x5d: {  	_ =	shalt  }
0x5e: {  	_ =	shalt  }
0x5f: {  	_ =	shalt  }
0x60: {  	_ =	shalt  }
0x61: {  	_ =	shalt  }
0x62: {  	_ =	shalt  }
0x63: {  	_ =	shalt  }
0x64: {  	_ =	shalt  }
0x65: {  	_ =	shalt  }
0x66: {  	_ =	shalt  }
0x67: {  	_ =	shalt  }
0x68: {  	_ =	shalt  }
0x69: {  	_ =	shalt  }
0x6a: {  	_ =	shalt  }
0x6b: {  	_ =	shalt  }
0x6c: {  	_ =	shalt  }
0x6d: {  	_ =	shalt  }
0x6e: {  	_ =	shalt  }
0x6f: {  	_ =	shalt  }
0x70: {  	_ =	shalt  }
0x71: {  	_ =	shalt  }
0x72: {  	_ =	shalt  }
0x73: {  	_ =	shalt  }
0x74: {  	_ =	shalt  }
0x75: {  	_ =	shalt  }
0x76: {  	_ =	shalt  }
0x77: {  	_ =	shalt  }
0x78: {  	_ =	shalt  }
0x79: {  	_ =	shalt  }
0x7a: {  	_ =	shalt  }
0x7b: {  	_ =	shalt  }
0x7c: {  	_ =	shalt  }
0x7d: {  	_ =	shalt  }
0x7e: {  	_ =	shalt  }
0x7f: {  	_ =	shalt  }
0x80: {  	_ =	shalt  }
0x81: {  	_ =	shalt  }
0x82: {  	_ =	shalt  }
0x83: {  	_ =	shalt  }
0x84: {  	_ =	shalt  }
0x85: {  	_ =	shalt  }
0x86: {  	_ =	shalt  }
0x87: {  	_ =	shalt  }
.Lfunc_end0:
.L_simem_size_0:
called_computation.2_lowered:
.L_overlay_start_0:
0x88: {  	s2 =	sld [smem:$0x3FD9]  }
0x89: {  	s3 =	sld [smem:$0x3FFE];
	_ =	sdelay $0x1  }
0x8a: {  	s1 =	srdreg.scid  }
0x8b: {  	s0 =	sand.u32 $0x1, s1  }
0x8c: {  	s17 =	sshll.u32 s0, $0xA;
	s2 =	sadd.s32 s3, s2  }
0x8d: {  	s2 =	sadd.s32 s2, s17  }
0x8e: {  	[smem:$0x3FC2] =	sst s2  }
0x8f: {  	_ = 	snop  }
0x90: {  	s2 =	sld [smem:$0x3FD0];
	(tm) =	ssettm $0x1  }
0x91: {  	s18 =	sld [smem:$0x3FFB];
	_ =	sdelay $0x3  }
0x92: {  	_ =	strace s18  }
0x93: {  	s3 =	sld [smem:$0x3FFC];
	_ =	sdelay $0x3  }
0x94: {  	_ =	strace s3  }
0x95: {  	s3 =	sld [smem:$0x3FFD];
	_ =	sdelay $0x3  }
0x96: {  	_ =	strace s3  }
0x97: {  	_ =	strace $0x8FFFFFFF  }
0x98: {  	s19 =	sld [smem:$0x3FDB];
	_ =	sdelay $0x1  }
0x99: {  	s4 =	simm.s32 $_scs_section_size  }
0x9a: {  	s5 =	simm.s32 $_size__tile_overlayer_lowered;
	s6 =	simm.s32 $_tile_overlayer_lowered  }
0x9b: {  	s22 =	simm.s32 $0x1BFF;
	s21 =	sshll.u32 s6, $0x1;
	s3 =	sadd.s32 s4, s19  }
0x9c: {  	s7 =	simm.s32 $0x0;
	s20 =	sshll.u32 s5, $0x1;
	s5 =	sadd.s32 s21, s3  }
0x9d: {  	[timem:s7], [sflag:s22] =	dma.local [hbm:s5], s20  }
0x9e: {  	_ =	swait.ge [sflag:s22], s20  }
0x9f: {  	s4 =	ssub.s32 $0x0, s20;
	[sflag:s22] =	ssyncset.done $0x0  }
0xa0: {  	[sflag:s22] =	ssyncadd.s32 s4;
	_ =	sdelay $0x1  }
0xa1: {  	s23 =	simm.s32 $0x1B8B  }
0xa2: {  	_ =	swait.ge [sflag:s23], $0x1  }
0xa3: {  	[sflag:s23] =	ssyncset.done $0x0  }
0xa4: {  	s25 =	simm.s32 $0x1B8E;
	s24 =	sld [smem:$0x3FFE];
	[sflag:s23] =	ssyncadd.s32 $0xFFFFFFFF  }
0xa5: {  	s26 =	simm.s32 $execute0_lowered;
	[smem:$0x3FD2] =	sst s25  }
0xa6: {  	s5 =	sshll.u32 s26, $0x1;
	_ =	strace $0x8000004C;
	[dreg:$0x1] =	wrdreg $0xFFFFFFFF  }
0xa7: {  	s28 =	simm.s32 $_size_execute0_lowered;
	s3 =	sadd.s32 s3, s5;
	[dreg:$0x0] =	wrdreg $0x0  }
0xa8: {  	s5 =	sshll.u32 s28, $0x1;
	[dreg:$0x2] =	wrdreg s3  }
0xa9: {  	[dreg:$0x3] =	wrdreg s5  }
0xaa: {  	[dreg:$0x4] =	wrdreg $0xC0  }
0xab: {  	_ =	task [dreg:s7], $0x5FFFF  }
0xac: {  	[dreg:$0x1] =	wrdreg $0xFFFFFFFF  }
0xad: {  	[dreg:$0x0] =	wrdreg $0x60  }
0xae: {  	[dreg:$0x2] =	wrdreg s2  }
0xaf: {  	[dreg:$0x3] =	wrdreg s24  }
0xb0: {  	[dreg:$0x4] =	wrdreg $0x0  }
0xb1: {  	[dreg:$0x5] =	wrdreg $0x9  }
0xb2: {  	_ =	task.clear_ibuf [dreg:s7], $0x6FFFF;
	_ =	strace $0x9000004C  }
0xb3: {  	s29 =	simm.s32 $0x9;
	_ =	strace $0x8000004E  }
0xb4: {  	_ =	swait.ge [sflag:s29], $0x1  }
0xb5: {  	[sflag:s29] =	ssyncadd.s32 $0xFFFFFFFF  }
0xb6: {  	_ =	strace $0x9000004E  }
0xb7: {  	_ =	sfence  }
0xb8: {  	s30 =	sld [smem:$0x0];
	_ =	sdelay $0x2  }
0xb9: {  	s31 =	sshll.u32 s1, $0xD;
	s1 =	sshrl.u32 s1, $0x2  }
0xba: {  	s3 =	sand.u32 $0x4000, s31;
	s1 =	sadd.s32 s1, s30  }
0xbb: {  	s0 =	sor.u32 s3, s0;
	s1 =	sshll.u32 s1, $0x11  }
0xbc: {  	s0 =	sor.u32 s1, s0  }
0xbd: {  	s0 =	sadd.s32 $0x8F2B, s0  }
0xbe: {  	[sflag:s0] =	ssyncadd.remote.s32 $0x1  }
0xbf: {  	_ =	sfence.sel $0xFFFF  }
0xc0: {  	[dreg:$0x0] =	wrdreg $0xFFFFFFFF;
	(pc) =	sbr.abs _section_cstart, $3  }
0xc1: {  	[dreg:$0x1] =	wrdreg $0xFFFFFFFF  }
0xc2: {  	_ =	task.clear_ibuf [dreg:s7], $0x2FFFF;
	_ =	strace $0x9FFFFFFF  }
0xc3: {  	(tm) =	ssettm $0x7FFFFFFF  }
tec
execute0_lowered:
.L_overlay_start_1:
0x0: {  	(tag) =	ssettag $0x1  }
0x1: {  	s1 =	rddreg [dreg:$0x0]  }
0x2: {  	s0 =	srdreg.scid;
	s8 =	rddreg [dreg:$0x1]  }
0x3: {  	s3 =	rddreg [dreg:$0x2];
	s5 =	simm.s32 $0x0;
	s18 =	simm.s32 $0x1  }
0x4: {  	s19 =	simm.s32 $0x2;
	s7 =	sand.u32 $0x1, s0;
	s0 =	stileid.u32  }
0x5: {  	s20 =	simm.s32 $0x80;
	s21 =	simm.s32 $0x0;
	s9 =	smul.u32 $0x14000, s0  }
0x6: {  	[smem:$0x7FF] =	sst s5;
	s6 =	sadd.s32 $0x2000, s8;
	s11 =	smul.u32 $0x140000, s7  }
0x7: {  	s2 =	sshll.u32 s7, $0x4;
	s7 =	ssub.s32 $0x2, s7;
	s14 =	smul.u32 $0x50000, s0  }
0x8: {  	s16 =	sshll.u32 s0, $0x6;
	s2 =	sor.u32 s0, s2;
	s30 =	sshrl.u32 s7, $0x1  }
0x9: {  	s16 =	sor.u32 $0x1C03, s16;
	s4 =	smul.u32 $0x2800, s2;
	s2 =	rddreg [dreg:$0x3]  }
0xa: {  	_ =	strace $0x8000004D;
	s13 =	sshrl.u32 s9, $0x3;
	s9 =	sadd.s32 s9, s11  }
0xb: {  	s11 =	ssub.s32 s7, s30;
	s31 =	sshrl.u32 s14, $0x2;
	s14 =	simm.s32 $0x16900  }
0xc: {  	s9 =	sshrl.u32 s9, $0x3;
	s13 =	sadd.s32 s13, s8;
	s17 =	sadd.s32 s31, s3  }
0xd: {  	s11 =	smax.u32 s11, $0x1;
	s10 =	sshrl.u32 s4, $0x3;
	s15 =	sadd.s32 s9, s8  }
0xe: {  	s9 =	sadd.s32 $0x16000, s13;
	s13 =	simm.s32 $0x3;
	s17 =	sshrl.u32 s17, $0x3  }
0xf: {  	s12 =	sadd.s32 s10, s8;
	s8 =	sadd.s32 s6, s10;
	s10 =	sadd.s32 $0x3E000, s15  }
0x10: {  	s15 =	simm.s32 $0x16800;
	s7 =	sadd.s32 $0xC000, s12;
	s12 =	simm.s32 $0x14000  }
.LBB2_1:
0x11: {  	[tilespmem:s12], [sflag:$0x3] =	stream.linear.gather [hbm4b:s7+s5], $0x2780, $0x38;
	[tilespmem:$0x1E900] =	vst v63  }
0x12: {  	_ =	swait.ge [sflag:s13], $0x2780  }
0x13: {  	[sflag:s13] =	ssyncset.done $0x0  }
0x14: {  	[sflag:s13] =	ssyncadd.s32 $0xFFFFD880  }
0x15: {  	[tilespmem:s14], [sflag:$0x1] =	stream.indirect.gather [hbm4b:s1+s20], $0x80, s12, s20, $0xb8;
	[tilespmem:$0x1E900] =	vst v63  }
0x16: {  	_ = 	snop  }
0x17: {  	[tilespmem:s15], [sflag:$0x2] =	stream.linear.gather [hbm4b:s8+s5], $0x80, $0x38;
	[tilespmem:$0x1E900] =	vst v63  }
0x18: {  	[spmem:s17], [sflag:s16] =	dma.local [hbm:s9], $0x2800  }
0x19: {  	_ =	swait.ge [sflag:s13], $0x2800  }
0x1a: {  	[sflag:s13] =	ssyncset.done $0x0  }
0x1b: {  	[sflag:s13] =	ssyncadd.s32 $0xFFFFD800  }
0x1c: {  	s22 =	simm.s32 $0x14080;
	s23 =	sand.u32 $0x380, s20;
	[bflag:$0x0] =	sbarrier.arrive $0xFFFF  }
0x1d: {  	s24 =	sand.u32 $0x1, s5;
	s25 =	sand.u32 $0x7C00, s20;
	_ =	swait.ge [sflag:s18], $0x4000  }
0x1e: {  	s26 =	sxor.u32 $0x1, s24;
	s25 =	sadd.s32 s4, s25;
	[sflag:s18] =	ssyncset.done $0x0  }
0x1f: {  	s29 =	sshll.u32 s24, $0x7;
	s31 =	sshll.u32 s24, $0xE;
	[sflag:s18] =	ssyncadd.s32 $0xFFFFC000  }
0x20: {  	s24 =	simm.s32 $0x14100;
	s28 =	sshll.u32 s26, $0xE;
	_ =	swait.ge [sflag:s19], $0x80  }
0x21: {  	s23 =	sor.u32 s23, s25;
	s26 =	sshll.u32 s26, $0x7;
	[sflag:s19] =	ssyncset.done $0x0  }
0x22: {  	s28 =	sadd.s32 $0x16900, s28;
	s23 =	sshrl.u32 s23, $0x3;
	[sflag:s19] =	ssyncadd.s32 $0xFFFFFF80  }
0x23: {  	[tilespmem:s28], [sflag:$0x1] =	stream.indirect.gather [hbm4b:s1+s20], $0x80, s22, s20, $0xb8;
	[tilespmem:$0x1E900] =	vst v63  }
0x24: {  	s25 =	sor.u32 $0x16800, s29;
	s30 =	sor.u32 $0x16800, s26;
	s23 =	sadd.s32 s6, s23  }
0x25: {  	[tilespmem:s30], [sflag:$0x2] =	stream.linear.gather [hbm4b:s23+s5], $0x80, $0x38;
	[tilespmem:$0x1E900] =	vst v63  }
0x26: {  	s26 =	sadd.s32 $0x16900, s31;
	s22 =	simm.s32 $0x100;
	s23 =	simm.s32 $0x1  }
.LBB2_2:
0x27: {  	[spmem:s3] =	stream.indirect.scatter.add.f32 [tilespmem:s26], [sflag:$0x3], $0x80, s25, s20, $0xb8;
	[tilespmem:$0x1E900] =	vst v63  }
0x28: {  	s25 =	smov.u32 s22  }
0x29: {  	p0 =	sne.s32 s22, $0x2700;
	s22 =	sadd.s32 $0x80, s22;
	_ =	swait.ge [sflag:s13], $0x4000  }
0x2a: {  	[sflag:s13] =	ssyncset.done $0x0  }
0x2b: {  	s26 =	sand.u32 $0x380, s25;
	[sflag:s13] =	ssyncadd.s32 $0xFFFFC000  }
0x2c: {  	s28 =	sand.u32 $0x1, s23;
	s29 =	sand.u32 $0x7C00, s25;
	_ =	swait.ge [sflag:s18], $0x4000  }
0x2d: {  	s25 =	sshll.u32 s28, $0x7;
	s30 =	sxor.u32 $0x1, s28;
	[sflag:s18] =	ssyncset.done $0x0  }
0x2e: {  	s25 =	sor.u32 $0x16800, s25;
	s31 =	sshll.u32 s30, $0xE;
	[sflag:s18] =	ssyncadd.s32 $0xFFFFC000  }
0x2f: {  	s29 =	sadd.s32 s4, s29;
	s31 =	sadd.s32 $0x16900, s31;
	_ =	swait.ge [sflag:s19], $0x80  }
0x30: {  	s28 =	sshll.u32 s28, $0xE;
	s26 =	sor.u32 s26, s29;
	s29 =	sshll.u32 s30, $0x7  }
0x31: {  	s26 =	sshrl.u32 s26, $0x3;
	s29 =	sor.u32 $0x16800, s29;
	[sflag:s19] =	ssyncset.done $0x0  }
.Ltmp0:
0x32: {  	s30 =	sadd.s32 s6, s26;
	[sflag:s19] =	ssyncadd.s32 $0xFFFFFF80;
	(pc) =	sbr.rel @p0 .LBB2_2-.Ltmp0, $4  }
0x33: {  	[tilespmem:s31], [sflag:$0x1] =	stream.indirect.gather [hbm4b:s1+s20], $0x80, s24, s20, $0xb8;
	[tilespmem:$0x1E900] =	vst v63  }
0x34: {  	s26 =	sadd.s32 $0x16900, s28  }
0x35: {  	[tilespmem:s29], [sflag:$0x2] =	stream.linear.gather [hbm4b:s30+s5], $0x80, $0x38;
	[tilespmem:$0x1E900] =	vst v63  }
0x36: {  	s23 =	sadd.s32 $0x1, s23;
	s24 =	sadd.s32 $0x80, s24  }
0x37: {  	[spmem:s3] =	stream.indirect.scatter.add.f32 [tilespmem:s26], [sflag:$0x3], $0x80, s25, s20, $0xb8;
	[tilespmem:$0x1E900] =	vst v63  }
0x38: {  	_ =	swait.ge [sflag:s13], $0x4000  }
0x39: {  	[sflag:s13] =	ssyncset.done $0x0  }
0x3a: {  	[sflag:s13] =	ssyncadd.s32 $0xFFFFC000  }
0x3b: {  	_ =	swait.ge [sflag:s18], $0x4000  }
0x3c: {  	[sflag:s18] =	ssyncset.done $0x0  }
0x3d: {  	[sflag:s18] =	ssyncadd.s32 $0xFFFFC000  }
0x3e: {  	_ =	swait.ge [sflag:s19], $0x80  }
0x3f: {  	[sflag:s19] =	ssyncset.done $0x0  }
0x40: {  	[sflag:s19] =	ssyncadd.s32 $0xFFFFFF80  }
0x41: {  	[spmem:s3] =	stream.indirect.scatter.add.f32 [tilespmem:s14], [sflag:$0x3], $0x80, s15, s20, $0xb8;
	[tilespmem:$0x1E900] =	vst v63  }
0x42: {  	_ =	swait.ge [sflag:s13], $0x4000  }
0x43: {  	s21 =	sadd.s32 $0x1, s21;
	[sflag:s13] =	ssyncset.done $0x0  }
0x44: {  	p0 =	sne.s32 s21, s11;
	[sflag:s13] =	ssyncadd.s32 $0xFFFFC000  }
.Ltmp1:
0x45: {  	[bflag:$0x0] =	sbarrier.arrive $0xFFFF;
	(pc) =	sbr.rel @p0 .LBB2_1-.Ltmp1, $4  }
0x46: {  	[hbm:s10], [sflag:s16] =	dma.local [spmem:s17], $0x2800  }
0x47: {  	_ =	swait.ge [sflag:s13], $0x2800  }
0x48: {  	[sflag:s13] =	ssyncset.done $0x0  }
0x49: {  	[sflag:s13] =	ssyncadd.s32 $0xFFFFD800  }
0x4a: {  	_ =	sfence.sel $0x180000  }
0x4b: {  	[bflag:$0x0] =	sbarrier.arrive $0xFFFF  }
0x4c: {  	p0 =	sne.s32 s0, $0x0;
	_ =	strace $0x9000004D  }
0x4d: {  	s0 =	sadd.s32 @!p0 $0x100000, s2;
	[bflag:$0x2] =	sbarrier.arrive $0xFFFF  }
0x4e: {  	[sflag:s0] =	ssyncadd.tile.s32 @!p0 $0x1;
	_ =	shalt  }
.Lfunc_end2:
_tile_overlayer_lowered:
.L_overlay_start_2:
0x4f: {  	(tag) =	ssettag $0x2  }
0x50: {  	s0 =	rddreg [dreg:$0x0];
	s2 =	stileid.u32  }
0x51: {  	s1 =	rddreg [dreg:$0x1];
	p0 =	sne.s32 s2, $0x0  }
0x52: {  	s3 =	rddreg [dreg:$0x2];
	[bflag:$0x3] =	sbarrier.arrive $0xFFFF;
	s2 =	simm.s32 @!p0 $0x1C03  }
0x53: {  	[timem:s3], [sflag:s2] =	dma.local @!p0 [hbm:s0], s1  }
0x54: {  	s0 =	simm.s32 @!p0 $0x3  }
0x55: {  	_ =	swait.ge @!p0 [sflag:s0], s1  }
0x56: {  	s1 =	ssub.s32 @!p0 $0x0, s1;
	[sflag:s0] =	ssyncset.done @!p0 $0x0  }
0x57: {  	[sflag:s0] =	ssyncadd.s32 @!p0 s1  }
0x58: {  	[bflag:$0x3] =	sbarrier.arrive $0xFFFF  }
0x59: {  	_ =	shalt  }

// kernel: kernel.9.cloned.1.call-start
scs
__scs_entry_jumppad:
0x0: {  	(pc) =	sbr.rel $0x88, $3  }
0x1: {  	(tag) =	ssettag $0x0;
	lr =	simm.s32 $0x1  }
0x2: {  	[smem:$0x3F9B] =	sst lr;
	_ =	strace $0xD0000000  }
0x3: {  	_ = 	snop  }
0x4: {  	_ = 	snop  }
0x5: {  	_ = 	snop  }
0x6: {  	_ = 	snop  }
0x7: {  	_ = 	snop  }
__scs_overlays_trampoline_lowered:
0x8: {  	[smem:$0x3FAA] =	sst s0  }
0x9: {  	[smem:$0x3FAB] =	sst s1  }
0xa: {  	[smem:$0x3FAC] =	sst s2  }
0xb: {  	[smem:$0x3FAD] =	sst s3  }
0xc: {  	[smem:$0x3FAE] =	sst s4  }
0xd: {  	[smem:$0x3FAF] =	sst s5  }
0xe: {  	[smem:$0x3FB0] =	sst s6  }
0xf: {  	[smem:$0x3FB1] =	sst s7  }
0x10: {  	[smem:$0x3FB2] =	sst s8  }
0x11: {  	[smem:$0x3FB3] =	sst s9;
	s0 =	simm.s32 @!p0 $0x0  }
0x12: {  	s1 =	sld [smem:$0x3F99];
	s0 =	simm.s32 @p0 $0x1  }
0x13: {  	[smem:$0x3FB4] =	sst s0;
	s0 =	simm.s32 @!p1 $0x0  }
0x14: {  	s2 =	sld [smem:$0x3F98];
	s0 =	simm.s32 @p1 $0x1  }
0x15: {  	[smem:$0x3FB5] =	sst s0;
	s0 =	simm.s32 @!p2 $0x0  }
0x16: {  	s3 =	sld [smem:$0x3FDB];
	s0 =	simm.s32 @p2 $0x1  }
0x17: {  	s4 =	simm.s32 $0x1BF5;
	[smem:$0x3FB7] =	sst s0  }
0x18: {  	s0 =	sld [smem:$0x3F9A];
	_ =	swait.ge [sflag:s4], $0x0  }
0x19: {  	s7 =	sld [smem:$0x3F9B]  }
0x1a: {  	s8 =	sadd.s32 $0xFFFFE003, lr  }
0x1b: {  	s9 =	sadd.s32 $0xFFFFFEF7, lr;
	s5 =	simm.s32 $0xFFFFFFFF;
	p2 =	slt.u32 s8, $0xFFFFF086  }
0x1c: {  	p1 =	slt.u32 s9, $0xF7A;
	s5 =	simm.s32 @!p2 $0x0  }
0x1d: {  	s5 =	simm.s32 @p1 $0x1;
	p0 =	seq.s32 s7, s2  }
0x1e: {  	s7 =	smul.u32 @!p0 $0xF7A, s2;
	p2 =	seq.s32 @!p0 s5, $0x0  }
0x1f: {  	s9 =	smul.u32 $0xF7A, s1;
	s8 =	simm.s32 @!p0 $0x1BF5;
	p2 =	por !p2, p0  }
0x20: {  	[sflag:s8] =	ssyncset.s32 @!p0 $0xFFFFF086;
	s6 =	sadd.s32 @!p0 s3, s7;
	s7 =	simm.s32 @!p0 $0x108  }
0x21: {  	s3 =	sadd.s32 s3, s9;
	s6 =	sadd.s32 @!p0 $0x88, s6;
	s7 =	simm.s32 @p2 $0x1082  }
0x22: {  	[simem:s7], [sflag:s8] =	dma.local @!p0 [hbm:s6], $0xF7A  }
0x23: {  	s9 =	sor.u32 $0xD0000000, s2;
	s6 =	simm.s32 $0x108;
	_ =	swait.ge @!p0 [sflag:s8], $0x0  }
0x24: {  	s3 =	sadd.s32 $0x88, s3;
	s6 =	simm.s32 @!p1 $0x1082;
	[sflag:s4] =	ssyncset.s32 $0xFFFFF086  }
0x25: {  	[simem:s6], [sflag:s4] =	dma.local [hbm:s3], $0xF7A  }
0x26: {  	[smem:$0x3F9B] =	sst s1;
	(tag) =	ssettag s2;
	_ =	strace s9  }
0x27: {  	s1 =	sld [smem:$0x3FAB]  }
0x28: {  	s2 =	sld [smem:$0x3FAC]  }
0x29: {  	s4 =	sld [smem:$0x3FAE]  }
0x2a: {  	p0 =	seq.s32 s5, $0x0;
	s5 =	sld [smem:$0x3FAF]  }
0x2b: {  	s6 =	sld [smem:$0x3FB0]  }
0x2c: {  	s7 =	sld [smem:$0x3FB1]  }
0x2d: {  	s3 =	simm.s32 $0x108;
	s8 =	sld [smem:$0x3FB2]  }
0x2e: {  	s3 =	simm.s32 @!p0 $0x1082;
	s9 =	sld [smem:$0x3FB3]  }
0x2f: {  	lr =	sadd.s32 s0, s3;
	s0 =	sld [smem:$0x3FAA]  }
0x30: {  	s3 =	sld [smem:$0x3FAD]  }
0x31: {  	[smem:$0x3FB6] =	sst s10  }
0x32: {  	s10 =	sld [smem:$0x3FB4];
	_ =	sdelay $0x3  }
0x33: {  	p0 =	seq.s32 s10, $0x1;
	s10 =	sld [smem:$0x3FB6];
	_ =	sdelay $0x3  }
0x34: {  	[smem:$0x3FB6] =	sst s10  }
0x35: {  	s10 =	sld [smem:$0x3FB5];
	_ =	sdelay $0x3  }
0x36: {  	p1 =	seq.s32 s10, $0x1;
	s10 =	sld [smem:$0x3FB6];
	_ =	sdelay $0x3  }
0x37: {  	[smem:$0x3FB6] =	sst s10  }
0x38: {  	s10 =	sld [smem:$0x3FB7]  }
0x39: {  	_ = 	snop;
	(pc) =	sbr.ind lr, $3  }
0x3a: {  	_ = 	snop  }
0x3b: {  	_ = 	snop  }
0x3c: {  	p2 =	seq.s32 s10, $0x1;
	s10 =	sld [smem:$0x3FB6]  }
0x3d: {  	_ =	shalt  }
0x3e: {  	_ =	shalt  }
0x3f: {  	_ =	shalt  }
0x40: {  	_ =	shalt  }
0x41: {  	_ =	shalt  }
0x42: {  	_ =	shalt  }
0x43: {  	_ =	shalt  }
0x44: {  	_ =	shalt  }
0x45: {  	_ =	shalt  }
0x46: {  	_ =	shalt  }
0x47: {  	_ =	shalt  }
0x48: {  	_ =	shalt  }
0x49: {  	_ =	shalt  }
0x4a: {  	_ =	shalt  }
0x4b: {  	_ =	shalt  }
0x4c: {  	_ =	shalt  }
0x4d: {  	_ =	shalt  }
0x4e: {  	_ =	shalt  }
0x4f: {  	_ =	shalt  }
0x50: {  	_ =	shalt  }
0x51: {  	_ =	shalt  }
0x52: {  	_ =	shalt  }
0x53: {  	_ =	shalt  }
0x54: {  	_ =	shalt  }
0x55: {  	_ =	shalt  }
0x56: {  	_ =	shalt  }
0x57: {  	_ =	shalt  }
0x58: {  	_ =	shalt  }
0x59: {  	_ =	shalt  }
0x5a: {  	_ =	shalt  }
0x5b: {  	_ =	shalt  }
0x5c: {  	_ =	shalt  }
0x5d: {  	_ =	shalt  }
0x5e: {  	_ =	shalt  }
0x5f: {  	_ =	shalt  }
0x60: {  	_ =	shalt  }
0x61: {  	_ =	shalt  }
0x62: {  	_ =	shalt  }
0x63: {  	_ =	shalt  }
0x64: {  	_ =	shalt  }
0x65: {  	_ =	shalt  }
0x66: {  	_ =	shalt  }
0x67: {  	_ =	shalt  }
0x68: {  	_ =	shalt  }
0x69: {  	_ =	shalt  }
0x6a: {  	_ =	shalt  }
0x6b: {  	_ =	shalt  }
0x6c: {  	_ =	shalt  }
0x6d: {  	_ =	shalt  }
0x6e: {  	_ =	shalt  }
0x6f: {  	_ =	shalt  }
0x70: {  	_ =	shalt  }
0x71: {  	_ =	shalt  }
0x72: {  	_ =	shalt  }
0x73: {  	_ =	shalt  }
0x74: {  	_ =	shalt  }
0x75: {  	_ =	shalt  }
0x76: {  	_ =	shalt  }
0x77: {  	_ =	shalt  }
0x78: {  	_ =	shalt  }
0x79: {  	_ =	shalt  }
0x7a: {  	_ =	shalt  }
0x7b: {  	_ =	shalt  }
0x7c: {  	_ =	shalt  }
0x7d: {  	_ =	shalt  }
0x7e: {  	_ =	shalt  }
0x7f: {  	_ =	shalt  }
0x80: {  	_ =	shalt  }
0x81: {  	_ =	shalt  }
0x82: {  	_ =	shalt  }
0x83: {  	_ =	shalt  }
0x84: {  	_ =	shalt  }
0x85: {  	_ =	shalt  }
0x86: {  	_ =	shalt  }
0x87: {  	_ =	shalt  }
.Lfunc_end0:
.L_simem_size_0:
called_computation_lowered:
.L_overlay_start_0:
0x88: {  	s2 =	sld [smem:$0x3FD9]  }
0x89: {  	s3 =	sld [smem:$0x3FFE];
	_ =	sdelay $0x1  }
0x8a: {  	s1 =	srdreg.scid  }
0x8b: {  	s0 =	sand.u32 $0x1, s1  }
0x8c: {  	s17 =	sshll.u32 s0, $0xA;
	s2 =	sadd.s32 s3, s2  }
0x8d: {  	s2 =	sadd.s32 s2, s17  }
0x8e: {  	[smem:$0x3FC2] =	sst s2  }
0x8f: {  	_ = 	snop  }
0x90: {  	s2 =	sld [smem:$0x3FD0];
	(tm) =	ssettm $0x1  }
0x91: {  	s18 =	sld [smem:$0x3FFB];
	_ =	sdelay $0x3  }
0x92: {  	_ =	strace s18  }
0x93: {  	s3 =	sld [smem:$0x3FFC];
	_ =	sdelay $0x3  }
0x94: {  	_ =	strace s3  }
0x95: {  	s3 =	sld [smem:$0x3FFD];
	_ =	sdelay $0x3  }
0x96: {  	_ =	strace s3  }
0x97: {  	_ =	strace $0x8FFFFFFF  }
0x98: {  	s19 =	sld [smem:$0x3FDB];
	_ =	sdelay $0x1  }
0x99: {  	s4 =	simm.s32 $_scs_section_size  }
0x9a: {  	s5 =	simm.s32 $_size__tile_overlayer_lowered;
	s6 =	simm.s32 $_tile_overlayer_lowered  }
0x9b: {  	s22 =	simm.s32 $0x1BFF;
	s21 =	sshll.u32 s6, $0x1;
	s3 =	sadd.s32 s4, s19  }
0x9c: {  	s7 =	simm.s32 $0x0;
	s20 =	sshll.u32 s5, $0x1;
	s5 =	sadd.s32 s21, s3  }
0x9d: {  	[timem:s7], [sflag:s22] =	dma.local [hbm:s5], s20  }
0x9e: {  	_ =	swait.ge [sflag:s22], s20  }
0x9f: {  	s4 =	ssub.s32 $0x0, s20;
	[sflag:s22] =	ssyncset.done $0x0  }
0xa0: {  	[sflag:s22] =	ssyncadd.s32 s4;
	_ =	sdelay $0x1  }
0xa1: {  	s23 =	simm.s32 $0x1B8B  }
0xa2: {  	_ =	swait.ge [sflag:s23], $0x1  }
0xa3: {  	[sflag:s23] =	ssyncset.done $0x0  }
0xa4: {  	s25 =	simm.s32 $0x1B8E;
	s24 =	sld [smem:$0x3FFE];
	[sflag:s23] =	ssyncadd.s32 $0xFFFFFFFF  }
0xa5: {  	s26 =	simm.s32 $execute0_lowered;
	[smem:$0x3FD2] =	sst s25  }
0xa6: {  	s5 =	sshll.u32 s26, $0x1;
	_ =	strace $0x80000046;
	[dreg:$0x1] =	wrdreg $0xFFFFFFFF  }
0xa7: {  	s28 =	simm.s32 $_size_execute0_lowered;
	s3 =	sadd.s32 s3, s5;
	[dreg:$0x0] =	wrdreg $0x0  }
0xa8: {  	s5 =	sshll.u32 s28, $0x1;
	[dreg:$0x2] =	wrdreg s3  }
0xa9: {  	[dreg:$0x3] =	wrdreg s5  }
0xaa: {  	[dreg:$0x4] =	wrdreg $0xC0  }
0xab: {  	_ =	task [dreg:s7], $0x5FFFF  }
0xac: {  	[dreg:$0x1] =	wrdreg $0xFFFFFFFF  }
0xad: {  	[dreg:$0x0] =	wrdreg $0x60  }
0xae: {  	[dreg:$0x2] =	wrdreg s24  }
0xaf: {  	[dreg:$0x3] =	wrdreg s2  }
0xb0: {  	[dreg:$0x4] =	wrdreg $0x0  }
0xb1: {  	[dreg:$0x5] =	wrdreg $0x9  }
0xb2: {  	_ =	task.clear_ibuf [dreg:s7], $0x6FFFF;
	_ =	strace $0x90000046  }
0xb3: {  	s29 =	simm.s32 $0x9;
	_ =	strace $0x80000048  }
0xb4: {  	_ =	swait.ge [sflag:s29], $0x1  }
0xb5: {  	[sflag:s29] =	ssyncadd.s32 $0xFFFFFFFF  }
0xb6: {  	_ =	strace $0x90000048  }
0xb7: {  	_ =	sfence  }
0xb8: {  	s30 =	sld [smem:$0x0];
	_ =	sdelay $0x2  }
0xb9: {  	s31 =	sshll.u32 s1, $0xD;
	s1 =	sshrl.u32 s1, $0x2  }
0xba: {  	s3 =	sand.u32 $0x4000, s31;
	s1 =	sadd.s32 s1, s30  }
0xbb: {  	s0 =	sor.u32 s3, s0;
	s1 =	sshll.u32 s1, $0x11  }
0xbc: {  	s0 =	sor.u32 s1, s0  }
0xbd: {  	s0 =	sadd.s32 $0x8F2B, s0  }
0xbe: {  	[sflag:s0] =	ssyncadd.remote.s32 $0x1  }
0xbf: {  	_ =	sfence.sel $0xFFFF  }
0xc0: {  	[dreg:$0x0] =	wrdreg $0xFFFFFFFF;
	(pc) =	sbr.abs _section_cstart, $3  }
0xc1: {  	[dreg:$0x1] =	wrdreg $0xFFFFFFFF  }
0xc2: {  	_ =	task.clear_ibuf [dreg:s7], $0x2FFFF;
	_ =	strace $0x9FFFFFFF  }
0xc3: {  	(tm) =	ssettm $0x7FFFFFFF  }
tec
execute0_lowered:
.L_overlay_start_1:
0x0: {  	(tag) =	ssettag $0x1  }
0x1: {  	s3 =	rddreg [dreg:$0x0]  }
0x2: {  	s0 =	srdreg.scid;
	s6 =	rddreg [dreg:$0x1]  }
0x3: {  	s5 =	rddreg [dreg:$0x2];
	s1 =	stileid.u32;
	s2 =	simm.s32 $0x0  }
0x4: {  	s12 =	simm.s32 $0x400;
	s13 =	simm.s32 $0x1400;
	s14 =	simm.s32 $0x14000  }
0x5: {  	s15 =	simm.s32 $0x7800;
	s16 =	simm.s32 $0x100;
	s17 =	simm.s32 $0xA000  }
0x6: {  	s18 =	simm.s32 $0x0;
	s4 =	sand.u32 $0x1, s0;
	s0 =	rddreg [dreg:$0x3]  }
0x7: {  	[smem:$0x7FF] =	sst s2;
	s9 =	sshrl.u32 s1, $0x3;
	s28 =	smul.u32 $0x500, s1  }
0x8: {  	s10 =	sshll.u32 s1, $0x7;
	s11 =	smul.u32 $0x5000, s1;
	s7 =	sshll.u32 s4, $0x4  }
0x9: {  	_ =	strace $0x80000047;
	s8 =	ssub.s32 $0x2, s4;
	s9 =	smul.u32 $0x50000, s9  }
0xa: {  	s4 =	sshll.u32 s4, $0x7;
	s10 =	sand.u32 $0x380, s10;
	s7 =	sor.u32 s1, s7  }
0xb: {  	s26 =	sshrl.u32 s8, $0x1;
	s4 =	sor.u32 s4, s28;
	s30 =	sshrl.u32 s11, $0x2  }
0xc: {  	s11 =	simm.s32 $0x80;
	s7 =	smul.u32 $0x500, s7;
	s9 =	sshrl.u32 s9, $0x2  }
0xd: {  	s31 =	sshrl.u32 s4, $0x3;
	s29 =	sadd.s32 s9, s5;
	s5 =	sadd.s32 s30, s5  }
0xe: {  	s6 =	sadd.s32 s6, s31;
	s9 =	simm.s32 $0x1;
	s3 =	sadd.s32 s7, s3  }
0xf: {  	s7 =	ssub.s32 s8, s26;
	s4 =	sadd.s32 s10, s29;
	s8 =	simm.s32 $0x2800  }
0x10: {  	v0 =	vimm.f32 $0.0e+00;
	s10 =	simm.s32 $0x5000;
	s3 =	sadd.s32 $0x2000, s3;
	s7 =	smax.u32 s7, $0x1  }
.LBB2_1:
0x11: {  	[tilespmem:s8], [sflag:$0x1] =	stream.linear.gather [hbm4b:s3+s2], $0x2780, $0x38;
	[tilespmem:$0xA280] =	vst v63  }
0x12: {  	_ =	swait.ge [sflag:s9], $0x2780  }
0x13: {  	[sflag:s9] =	ssyncset.done $0x0  }
0x14: {  	s19 =	simm.s32 $0x0;
	[sflag:s9] =	ssyncadd.s32 $0xFFFFD880  }
.LBB2_2:
0x15: {  	p0 =	sne.s32 s19, $0x9FC0  }
.Ltmp0:
0x16: {  	_ = 	snop;
	(pc) =	sbr.rel @p0 .LBB2_2-.Ltmp0, $3  }
0x17: {  	_ =	sdelay $0x1  }
0x18: {  	s20 =	sshra.s32 s19, $0x2  }
0x19: {  	s19 =	sadd.s32 $0x40, s19;
	[tilespmem:s20+$0x5000] =	vst v0  }
0x1a: {  	s19 =	simm.s32 $0x0  }
.LBB2_4:
0x1b: {  	s20 =	sshra.s32 s19, $0x2  }
0x1c: {  	v1 =	vld [tilespmem:s20+$0x2800];
	_ =	sdelay $0x4  }
0x1d: {  	(xrf1) =	vunique.msk.u32 $0xffff, v1;
	_ =	sdelay $0xd  }
0x1e: {  	_, v2, vm0 =	vpop (xrf1);
	_ =	sdelay $0x3  }
0x1f: {  	v2 =	vcvt.s32.f32 v2;
	_ =	sdelay $0x1  }
0x20: {  	[tilespmem:v1+s10+$0x0] =	vst.idx.add.f32.msk vm0, v2  }
0x21: {  	v1 =	vld [tilespmem:s20+$0x2810];
	_ =	sdelay $0x4  }
0x22: {  	(xrf1) =	vunique.msk.u32 $0xffff, v1;
	_ =	sdelay $0xd  }
0x23: {  	_, v2, vm0 =	vpop (xrf1);
	_ =	sdelay $0x3  }
0x24: {  	v2 =	vcvt.s32.f32 v2;
	_ =	sdelay $0x1  }
0x25: {  	[tilespmem:v1+s10+$0x0] =	vst.idx.add.f32.msk vm0, v2  }
0x26: {  	v1 =	vld [tilespmem:s20+$0x2820];
	_ =	sdelay $0x4  }
0x27: {  	(xrf1) =	vunique.msk.u32 $0xffff, v1;
	_ =	sdelay $0xd  }
0x28: {  	_, v2, vm0 =	vpop (xrf1);
	_ =	sdelay $0x3  }
0x29: {  	v2 =	vcvt.s32.f32 v2;
	_ =	sdelay $0x1  }
0x2a: {  	[tilespmem:v1+s10+$0x0] =	vst.idx.add.f32.msk vm0, v2  }
0x2b: {  	v1 =	vld [tilespmem:s20+$0x2830];
	_ =	sdelay $0x4  }
0x2c: {  	(xrf1) =	vunique.msk.u32 $0xffff, v1;
	_ =	sdelay $0xd  }
0x2d: {  	_, v2, vm0 =	vpop (xrf1);
	_ =	sdelay $0x3  }
0x2e: {  	v2 =	vcvt.s32.f32 v2;
	_ =	sdelay $0x1  }
0x2f: {  	[tilespmem:v1+s10+$0x0] =	vst.idx.add.f32.msk vm0, v2  }
0x30: {  	v1 =	vld [tilespmem:s20+$0x2840];
	_ =	sdelay $0x4  }
0x31: {  	(xrf1) =	vunique.msk.u32 $0xffff, v1;
	_ =	sdelay $0xd  }
0x32: {  	_, v2, vm0 =	vpop (xrf1);
	_ =	sdelay $0x3  }
0x33: {  	v2 =	vcvt.s32.f32 v2;
	_ =	sdelay $0x1  }
0x34: {  	[tilespmem:v1+s10+$0x0] =	vst.idx.add.f32.msk vm0, v2  }
0x35: {  	v1 =	vld [tilespmem:s20+$0x2850];
	_ =	sdelay $0x4  }
0x36: {  	(xrf1) =	vunique.msk.u32 $0xffff, v1;
	_ =	sdelay $0xd  }
0x37: {  	_, v2, vm0 =	vpop (xrf1);
	_ =	sdelay $0x3  }
0x38: {  	v2 =	vcvt.s32.f32 v2;
	_ =	sdelay $0x1  }
0x39: {  	[tilespmem:v1+s10+$0x0] =	vst.idx.add.f32.msk vm0, v2  }
0x3a: {  	v1 =	vld [tilespmem:s20+$0x2860];
	_ =	sdelay $0x4  }
0x3b: {  	(xrf1) =	vunique.msk.u32 $0xffff, v1;
	_ =	sdelay $0xd  }
0x3c: {  	_, v2, vm0 =	vpop (xrf1);
	_ =	sdelay $0x3  }
0x3d: {  	v2 =	vcvt.s32.f32 v2;
	_ =	sdelay $0x1  }
0x3e: {  	[tilespmem:v1+s10+$0x0] =	vst.idx.add.f32.msk vm0, v2  }
0x3f: {  	v1 =	vld [tilespmem:s20+$0x2870];
	_ =	sdelay $0x4  }
0x40: {  	(xrf1) =	vunique.msk.u32 $0xffff, v1;
	_ =	sdelay $0xd  }
0x41: {  	_, v2, vm0 =	vpop (xrf1)  }
0x42: {  	p0 =	sne.s32 s19, $0x9C00  }
.Ltmp1:
0x43: {  	_ = 	snop;
	(pc) =	sbr.rel @p0 .LBB2_4-.Ltmp1, $3  }
0x44: {  	_ = 	snop  }
0x45: {  	v2 =	vcvt.s32.f32 v2;
	_ =	sdelay $0x1  }
0x46: {  	s19 =	sadd.s32 $0x200, s19;
	[tilespmem:v1+s10+$0x0] =	vst.idx.add.f32.msk vm0, v2  }
0x47: {  	[spmem:s4] =	stream.strided.scatter [tilespmem:s10], [sflag:$0x1], $0x2800, s12, s11, $0x38;
	[tilespmem:$0xA280] =	vst v63  }
0x48: {  	_ =	swait.ge [sflag:s9], $0x2800  }
0x49: {  	[sflag:s9] =	ssyncset.done $0x0  }
0x4a: {  	[sflag:s9] =	ssyncadd.s32 $0xFFFFD800  }
0x4b: {  	[bflag:$0x0] =	sbarrier.arrive $0xFFFF  }
0x4c: {  	[tilespmem:s15], [sflag:$0x1] =	stream.strided.gather [spmem:s5], $0x2800, s14, s13, $0x38;
	[tilespmem:$0xA280] =	vst v63  }
0x4d: {  	s19 =	simm.s32 $0x0;
	_ =	swait.ge [sflag:s9], $0x2800  }
0x4e: {  	s20 =	sand.u32 $0x70, s19;
	s19 =	sand.u32 $0x1C00, s19;
	[sflag:s9] =	ssyncset.done $0x0  }
0x4f: {  	s19 =	sor.u32 s20, s19;
	[sflag:s9] =	ssyncadd.s32 $0xFFFFD800  }
0x50: {  	v1 =	vld [tilespmem:s19+$0x7800];
	_ =	sdelay $0x1  }
0x51: {  	v2 =	vld [tilespmem:s19+$0x7880];
	_ =	sdelay $0x1  }
0x52: {  	v3 =	vld [tilespmem:s19+$0x7900]  }
0x53: {  	v1 =	vadd.f32 $0.0e+00, v1  }
0x54: {  	v4 =	vld [tilespmem:s19+$0x7980]  }
0x55: {  	v1 =	vadd.f32 v2, v1  }
0x56: {  	v2 =	vld [tilespmem:s19+$0x7A00]  }
0x57: {  	v1 =	vadd.f32 v3, v1  }
0x58: {  	v3 =	vld [tilespmem:s19+$0x7A80]  }
0x59: {  	v1 =	vadd.f32 v4, v1  }
0x5a: {  	v60 =	vld [tilespmem:s19+$0x7B00]  }
0x5b: {  	v1 =	vadd.f32 v2, v1  }
0x5c: {  	v2 =	vld [tilespmem:s19+$0x7B80]  }
0x5d: {  	v1 =	vadd.f32 v3, v1  }
0x5e: {  	v3 =	vld [tilespmem:s19+$0x8C00]  }
0x5f: {  	v1 =	vadd.f32 v60, v1  }
0x60: {  	v61 =	vld [tilespmem:s19+$0x8C80]  }
0x61: {  	v1 =	vadd.f32 v2, v1  }
0x62: {  	v2 =	vld [tilespmem:s19+$0x8D00]  }
0x63: {  	v1 =	vadd.f32 v3, v1  }
0x64: {  	v3 =	vld [tilespmem:s19+$0x8D80]  }
0x65: {  	v1 =	vadd.f32 v61, v1  }
0x66: {  	v62 =	vld [tilespmem:s19+$0x8E00]  }
0x67: {  	v1 =	vadd.f32 v2, v1  }
0x68: {  	v2 =	vld [tilespmem:s19+$0x8E80]  }
0x69: {  	v1 =	vadd.f32 v3, v1  }
0x6a: {  	v3 =	vld [tilespmem:s19+$0x8F00]  }
0x6b: {  	v1 =	vadd.f32 v62, v1  }
0x6c: {  	v63 =	vld [tilespmem:s19+$0x8F80]  }
0x6d: {  	v1 =	vadd.f32 v2, v1;
	_ =	sdelay $0x1  }
0x6e: {  	v1 =	vadd.f32 v3, v1  }
0x6f: {  	s21 =	simm.s32 $0x10  }
0x70: {  	s22 =	sand.u32 $0x70, s21;
	s20 =	simm.s32 $0x80;
	v1 =	vadd.f32 v63, v1  }
0x71: {  	s21 =	simm.s32 $0x20;
	s23 =	sand.u32 $0x1C00, s20;
	s19 =	simm.s32 $0xA000  }
.LBB2_6:
0x72: {  	p0 =	sne.s32 s21, $0x270;
	s22 =	sor.u32 s22, s23;
	[tilespmem:s19+$0x0] =	vst v1  }
0x73: {  	v1 =	vld [tilespmem:s22+$0x7800];
	_ =	sdelay $0x1  }
0x74: {  	v2 =	vld [tilespmem:s22+$0x7880];
	_ =	sdelay $0x1  }
0x75: {  	v3 =	vld [tilespmem:s22+$0x7900]  }
0x76: {  	v1 =	vadd.f32 $0.0e+00, v1  }
0x77: {  	v4 =	vld [tilespmem:s22+$0x7980]  }
0x78: {  	v1 =	vadd.f32 v2, v1  }
0x79: {  	v2 =	vld [tilespmem:s22+$0x7A00]  }
0x7a: {  	v1 =	vadd.f32 v3, v1  }
0x7b: {  	v3 =	vld [tilespmem:s22+$0x7A80]  }
0x7c: {  	v1 =	vadd.f32 v4, v1  }
0x7d: {  	v4 =	vld [tilespmem:s22+$0x7B00]  }
0x7e: {  	v1 =	vadd.f32 v2, v1  }
0x7f: {  	v2 =	vld [tilespmem:s22+$0x7B80]  }
0x80: {  	v1 =	vadd.f32 v3, v1  }
0x81: {  	v3 =	vld [tilespmem:s22+$0x8C00]  }
0x82: {  	v1 =	vadd.f32 v4, v1  }
0x83: {  	v4 =	vld [tilespmem:s22+$0x8C80]  }
0x84: {  	v1 =	vadd.f32 v2, v1  }
0x85: {  	v2 =	vld [tilespmem:s22+$0x8D00]  }
0x86: {  	v1 =	vadd.f32 v3, v1  }
0x87: {  	v3 =	vld [tilespmem:s22+$0x8D80]  }
0x88: {  	v1 =	vadd.f32 v4, v1  }
0x89: {  	v4 =	vld [tilespmem:s22+$0x8E00]  }
0x8a: {  	v1 =	vadd.f32 v2, v1  }
0x8b: {  	v2 =	vld [tilespmem:s22+$0x8E80]  }
0x8c: {  	v1 =	vadd.f32 v3, v1  }
0x8d: {  	v3 =	vld [tilespmem:s22+$0x8F00]  }
0x8e: {  	v1 =	vadd.f32 v4, v1  }
0x8f: {  	v4 =	vld [tilespmem:s22+$0x8F80]  }
0x90: {  	v1 =	vadd.f32 v2, v1  }
.Ltmp2:
0x91: {  	(pc) =	sbr.rel @p0 .LBB2_6-.Ltmp2, $3  }
0x92: {  	v1 =	vadd.f32 v3, v1;
	_ =	sdelay $0x1  }
0x93: {  	s20 =	sadd.s32 $0x80, s20;
	s19 =	sadd.s32 $0x10, s19;
	v1 =	vadd.f32 v4, v1  }
0x94: {  	s23 =	sand.u32 $0x1C00, s20;
	s22 =	sand.u32 $0x70, s21;
	s21 =	sadd.s32 $0x10, s21  }
0x95: {  	s20 =	sor.u32 s22, s23;
	[tilespmem:s19+$0x0] =	vst v1  }
0x96: {  	v1 =	vld [tilespmem:s20+$0x7800];
	_ =	sdelay $0x1  }
0x97: {  	v2 =	vld [tilespmem:s20+$0x7880];
	_ =	sdelay $0x1  }
0x98: {  	v3 =	vld [tilespmem:s20+$0x7900]  }
0x99: {  	v1 =	vadd.f32 $0.0e+00, v1  }
0x9a: {  	v4 =	vld [tilespmem:s20+$0x7980]  }
0x9b: {  	v1 =	vadd.f32 v2, v1  }
0x9c: {  	v2 =	vld [tilespmem:s20+$0x7A00]  }
0x9d: {  	v1 =	vadd.f32 v3, v1  }
0x9e: {  	v3 =	vld [tilespmem:s20+$0x7A80]  }
0x9f: {  	v1 =	vadd.f32 v4, v1  }
0xa0: {  	v60 =	vld [tilespmem:s20+$0x7B00]  }
0xa1: {  	v1 =	vadd.f32 v2, v1  }
0xa2: {  	v2 =	vld [tilespmem:s20+$0x7B80]  }
0xa3: {  	v1 =	vadd.f32 v3, v1  }
0xa4: {  	v3 =	vld [tilespmem:s20+$0x8C00]  }
0xa5: {  	v1 =	vadd.f32 v60, v1  }
0xa6: {  	v61 =	vld [tilespmem:s20+$0x8C80]  }
0xa7: {  	v1 =	vadd.f32 v2, v1  }
0xa8: {  	v2 =	vld [tilespmem:s20+$0x8D00]  }
0xa9: {  	v1 =	vadd.f32 v3, v1  }
0xaa: {  	v3 =	vld [tilespmem:s20+$0x8D80]  }
0xab: {  	v1 =	vadd.f32 v61, v1  }
0xac: {  	v62 =	vld [tilespmem:s20+$0x8E00]  }
0xad: {  	v1 =	vadd.f32 v2, v1  }
0xae: {  	v2 =	vld [tilespmem:s20+$0x8E80]  }
0xaf: {  	v1 =	vadd.f32 v3, v1  }
0xb0: {  	v3 =	vld [tilespmem:s20+$0x8F00]  }
0xb1: {  	v1 =	vadd.f32 v62, v1  }
0xb2: {  	v63 =	vld [tilespmem:s20+$0x8F80]  }
0xb3: {  	v1 =	vadd.f32 v2, v1;
	_ =	sdelay $0x1  }
0xb4: {  	v1 =	vadd.f32 v3, v1;
	_ =	sdelay $0x1  }
0xb5: {  	s18 =	sadd.s32 $0x1, s18;
	v1 =	vadd.f32 v63, v1  }
0xb6: {  	s31 =	sadd.s32 $0x10, s19;
	p0 =	sne.s32 s18, s7  }
.Ltmp3:
0xb7: {  	[tilespmem:s31+$0x0] =	vst v1;
	(pc) =	sbr.rel @p0 .LBB2_1-.Ltmp3, $4  }
0xb8: {  	[hbm4b:s6+s11] =	stream.strided.scatter [tilespmem:s17], [sflag:$0x1], $0x280, s16, s11, $0x38;
	[tilespmem:$0xA280] =	vst v63  }
0xb9: {  	_ =	swait.ge [sflag:s9], $0x280  }
0xba: {  	[sflag:s9] =	ssyncset.done $0x0  }
0xbb: {  	[sflag:s9] =	ssyncadd.s32 $0xFFFFFD80  }
0xbc: {  	_ =	sfence.sel $0x180000  }
0xbd: {  	[bflag:$0x0] =	sbarrier.arrive $0xFFFF  }
0xbe: {  	p0 =	sne.s32 s1, $0x0;
	_ =	strace $0x90000047  }
0xbf: {  	s0 =	sadd.s32 @!p0 $0x100000, s0;
	[bflag:$0x2] =	sbarrier.arrive $0xFFFF  }
0xc0: {  	[sflag:s0] =	ssyncadd.tile.s32 @!p0 $0x1;
	_ =	shalt  }
.Lfunc_end2:
_tile_overlayer_lowered:
.L_overlay_start_2:
0xc1: {  	(tag) =	ssettag $0x2  }
0xc2: {  	s0 =	rddreg [dreg:$0x0];
	s2 =	stileid.u32  }
0xc3: {  	s1 =	rddreg [dreg:$0x1];
	p0 =	sne.s32 s2, $0x0  }
0xc4: {  	s3 =	rddreg [dreg:$0x2];
	[bflag:$0x3] =	sbarrier.arrive $0xFFFF;
	s2 =	simm.s32 @!p0 $0x1C01  }
0xc5: {  	[timem:s3], [sflag:s2] =	dma.local @!p0 [hbm:s0], s1  }
0xc6: {  	s0 =	simm.s32 @!p0 $0x1  }
0xc7: {  	_ =	swait.ge @!p0 [sflag:s0], s1  }
0xc8: {  	s1 =	ssub.s32 @!p0 $0x0, s1;
	[sflag:s0] =	ssyncset.done @!p0 $0x0  }
0xc9: {  	[sflag:s0] =	ssyncadd.s32 @!p0 s1  }
0xca: {  	[bflag:$0x3] =	sbarrier.arrive $0xFFFF  }
0xcb: {  	_ =	shalt  }

</sc_bundles>
